<compile_context>
chip_gen: v7x
topology: tpu7x:2x2x1
jax: 0.10.2.dev20260603
libtpu: 0.0.44.dev20260713+nightly
codegen_flags: <defaults>
</compile_context>

<pallas_src>
import functools

import jax
import jax.numpy as jnp
from jax import lax
from jax.experimental import pallas as pl
from jax.experimental.pallas import tpu as pltpu
from jax.experimental.pallas import tpu_sc as plsc

_B, _S, _H, _E = 4, 8192, 2048, 8
_T = _B * _S
_K = 2
_TOK_BLK = 1024

_NC, _NS = 2, 16
_NW = _NC * _NS
_TS = 4096
_TT = _T - _TS
_CHS = _TS // _NW
_TB = 16
_NB = _CHS // _TB
_HB = _H // 16


def _top2(cols, zero, neg):
    m1 = cols[0]
    i1 = zero
    for e in range(1, _E):
        gt = cols[e] > m1
        m1 = jnp.where(gt, cols[e], m1)
        i1 = jnp.where(gt, e, i1)
    m2 = neg
    i2 = zero
    for e in range(_E):
        ce = jnp.where(i1 == e, neg, cols[e])
        gt = ce > m2
        m2 = jnp.where(gt, ce, m2)
        i2 = jnp.where(gt, e, i2)
    t = jnp.exp(m2 - m1)
    p1 = 1.0 / (1.0 + t)
    p2 = t * p1
    return i1, i2, p1, p2


def _tc_body(hs_ref, w_ref, lgt_ref, selt_ref, probst_ref):
    h = hs_ref[...]
    w = w_ref[...].astype(jnp.float32)
    lgt = lax.dot_general(w, h, (((0,), (1,)), ((), ())),
                          preferred_element_type=jnp.float32)
    lgt_ref[...] = lgt
    cols = [lgt[e:e + 1, :] for e in range(_E)]
    zero = jnp.zeros((1, _TOK_BLK), jnp.int32)
    neg = jnp.full((1, _TOK_BLK), -jnp.inf, jnp.float32)
    i1, i2, p1, p2 = _top2(cols, zero, neg)
    selt_ref[...] = jnp.concatenate([i1, i2], axis=0)
    probst_ref[...] = jnp.concatenate([p1, p2], axis=0)


def _tc_route(hs, w):
    grid = (_TT // _TOK_BLK,)
    return pl.pallas_call(
        _tc_body,
        grid=grid,
        in_specs=[
            pl.BlockSpec((_TOK_BLK, _H), lambda i: (i, 0)),
            pl.BlockSpec((_H, _E), lambda i: (0, 0)),
        ],
        out_specs=[
            pl.BlockSpec((_E, _TOK_BLK), lambda i: (0, i)),
            pl.BlockSpec((_K, _TOK_BLK), lambda i: (0, i)),
            pl.BlockSpec((_K, _TOK_BLK), lambda i: (0, i)),
        ],
        out_shape=[
            jax.ShapeDtypeStruct((_E, _TT), jnp.float32),
            jax.ShapeDtypeStruct((_K, _TT), jnp.int32),
            jax.ShapeDtypeStruct((_K, _TT), jnp.float32),
        ],
    )(hs, w)


def _sc_body(hs_hbm, wt_hbm, lg_hbm, sel_hbm, probs_hbm,
             w_v, hs_v, lg_v, sel_v, probs_v, sem0, sem1):
    wid = lax.axis_index("s") * _NC + lax.axis_index("c")
    row0 = (_TT - (_B - 1) * _S) + wid * _CHS

    pltpu.sync_copy(wt_hbm, w_v)

    def copy_batch(b, buf, sem):
        return pltpu.make_async_copy(
            hs_hbm.at[_B - 1, pl.ds(row0 + b * _TB, _TB), :],
            hs_v.at[buf], sem)

    lanes16 = lax.iota(jnp.int32, 16)
    last_lane = lanes16 == 15
    _TI = 4

    def proj_batch(b, buf):
        def quad_body(q, carry):
            def hstep(i, acc):
                out = list(acc)
                o = i * 16
                wv = [w_v[e, pl.ds(o, 16)] for e in range(_E)]
                for t in range(_TI):
                    v = hs_v[buf, q * _TI + t, pl.ds(o, 16)]
                    ui = lax.bitcast_convert_type(v, jnp.int32)
                    ui = (ui + 0x8000) & ~0xFFFF
                    v = lax.bitcast_convert_type(ui, jnp.float32)
                    for e in range(_E):
                        out[t * _E + e] = out[t * _E + e] + v * wv[e]
                return out

            acc = lax.fori_loop(0, _HB, hstep,
                                [jnp.zeros((16,), jnp.float32)] * (_E * _TI))
            for t in range(_TI):
                row = b * _TB + q * _TI + t
                for e in range(_E):
                    s = plsc.cumsum(acc[t * _E + e])
                    plsc.store_scatter(lg_v, [jnp.full((16,), row * _E + e,
                                                       jnp.int32)],
                                       s, mask=last_lane)
            return carry

        lax.fori_loop(0, _TB // _TI, quad_body, 0)

    copy_batch(0, 0, sem0).start()

    def pair(g, carry):
        b0 = 2 * g
        copy_batch(b0 + 1, 1, sem1).start()
        copy_batch(b0, 0, sem0).wait()
        proj_batch(b0, 0)

        @pl.when(b0 + 2 < _NB)
        def _():
            copy_batch(b0 + 2, 0, sem0).start()

        copy_batch(b0 + 1, 1, sem1).wait()
        proj_batch(b0 + 1, 1)
        return carry

    lax.fori_loop(0, _NB // 2, pair, 0)

    lanes = lax.iota(jnp.int32, 16)
    neg_inf = jnp.full((16,), -jnp.inf, jnp.float32)
    zero = jnp.zeros((16,), jnp.int32)

    def route(i, carry):
        off = i * 16
        toks = off + lanes
        cols = [plsc.load_gather(lg_v, [toks * _E + e])
                for e in range(_E)]
        i1, i2, p1, p2 = _top2(cols, zero, neg_inf)
        pos1 = 2 * off + 2 * lanes
        pos2 = pos1 + 1
        plsc.store_scatter(sel_v, [pos1], i1)
        plsc.store_scatter(sel_v, [pos2], i2)
        plsc.store_scatter(probs_v, [pos1], p1)
        plsc.store_scatter(probs_v, [pos2], p2)
        return carry

    lax.fori_loop(0, _CHS // 16, route, 0)

    base = wid * _CHS
    pltpu.sync_copy(lg_v, lg_hbm.at[pl.ds(_E * base, _E * _CHS)])
    pltpu.sync_copy(sel_v, sel_hbm.at[pl.ds(_K * base, _K * _CHS)])
    pltpu.sync_copy(probs_v, probs_hbm.at[pl.ds(_K * base, _K * _CHS)])


def _sc_route(hs_3d, wt):
    mesh = plsc.VectorSubcoreMesh(core_axis_name="c", subcore_axis_name="s")
    fn = functools.partial(
        pl.kernel,
        mesh=mesh,
        out_type=[
            jax.ShapeDtypeStruct((_TS * _E,), jnp.float32),
            jax.ShapeDtypeStruct((_K * _TS,), jnp.int32),
            jax.ShapeDtypeStruct((_K * _TS,), jnp.float32),
        ],
        scratch_types=[
            pltpu.VMEM((_E, _H), jnp.float32),
            pltpu.VMEM((2, _TB, _H), jnp.float32),
            pltpu.VMEM((_CHS * _E,), jnp.float32),
            pltpu.VMEM((_K * _CHS,), jnp.int32),
            pltpu.VMEM((_K * _CHS,), jnp.float32),
            pltpu.SemaphoreType.DMA,
            pltpu.SemaphoreType.DMA,
        ],
        compiler_params=pltpu.CompilerParams(needs_layout_passes=False,
                                             use_tc_tiling_on_sc=True),
    )(_sc_body)
    return fn(hs_3d, wt)


def kernel(hidden_states, router_weights):
    hs = hidden_states.reshape(_T, _H)
    wt = router_weights.T.astype(jnp.float32)

    lg_sc, sel_sc, probs_sc = _sc_route(hidden_states, wt)
    lgt_tc, selt_tc, probst_tc = _tc_route(hs, router_weights)

    lg = jnp.concatenate([lgt_tc.T, lg_sc.reshape(_TS, _E)], axis=0)
    sel = jnp.concatenate([selt_tc.T, sel_sc.reshape(_TS, _K)], axis=0)
    probs = jnp.concatenate([probst_tc.T, probs_sc.reshape(_TS, _K)], axis=0)
    return (
        lg.reshape(_B, _S, _E),
        sel.reshape(_B, _S, _K),
        probs.reshape(_B, _S, _K),
    )

# --- scband reference (transcript-rebuilt; emitter-appended) ---
"""Pipeline reference for scband-router-9096740733491 (READ-ONLY COPY).

The authoritative reference and input builder live on the scoring server;
editing this copy changes nothing except your own understanding.
"""

import jax, jax.numpy as jnp
import numpy as np

B, S, H, E, K = 4, 8192, 2048, 8, 2


def setup_inputs(seed: int = 0) -> dict:
    key = jax.random.key(seed)
    k1, k2 = jax.random.split(key)
    hidden_states = jax.random.normal(k1, (B, S, H), dtype=jnp.float32)
    # flax param: normal(stddev=0.02), shape (hidden_size, num_experts), dtype bfloat16
    router_weights = (jax.random.normal(k2, (H, E), dtype=jnp.float32) * 0.02).astype(jnp.bfloat16)
    return {"hidden_states": hidden_states, "router_weights": router_weights}


def reference(hidden_states, router_weights):
    # router_logits: [B, S, E]
    router_logits = jnp.dot(hidden_states, router_weights)
    # top-k expert selection per token
    top_k_logits, selected_experts = jax.lax.top_k(router_logits, k=K)
    router_probs = jax.nn.softmax(top_k_logits, axis=-1)
    return (router_logits, selected_experts, router_probs)

if __name__ == "__main__":
    import jax
    _d = setup_inputs()
    print(jax.jit(kernel)(*tuple(_d.values())))

</pallas_src>

<mosaic_0001>
#map = affine_map<(d0, d1) -> (0, 0, 0)>
#map1 = affine_map<(d0, d1) -> (0, 0)>
#map2 = affine_map<(d0, d1) -> (0)>
module attributes {stable_mosaic.version = 14 : i64} {
  func.func @_sc_body(%arg0: i32, %arg1: i32, %arg2: memref<4x8192x2048xf32, #tpu.memory_space<hbm>>, %arg3: memref<8x2048xf32, #tpu.memory_space<hbm>>, %arg4: memref<32768xf32, #tpu.memory_space<hbm>>, %arg5: memref<8192xi32, #tpu.memory_space<hbm>>, %arg6: memref<8192xf32, #tpu.memory_space<hbm>>, %arg7: memref<8x2048xf32, #tpu.memory_space<vmem>>, %arg8: memref<2x16x2048xf32, #tpu.memory_space<vmem>>, %arg9: memref<1024xf32, #tpu.memory_space<vmem>>, %arg10: memref<256xi32, #tpu.memory_space<vmem>>, %arg11: memref<256xf32, #tpu.memory_space<vmem>>, %arg12: memref<!tpu.dma_semaphore, #tpu.memory_space<semaphore_mem>>, %arg13: memref<!tpu.dma_semaphore, #tpu.memory_space<semaphore_mem>>) attributes {dimension_semantics = [#tpu.dimension_semantics<core_parallel>, #tpu.dimension_semantics<subcore_parallel>], iteration_bounds = array<i64: 2, 16>, scalar_prefetch = 0 : i64, scratch_operands = 7 : i64, tpu.core_type = #tpu.core_type<sc_vector_subcore>, window_params = [{transform_indices = #map}, {transform_indices = #map1}, {transform_indices = #map2}, {transform_indices = #map2}, {transform_indices = #map2}]} {
    %mul3A = arith.constant 2 : i32
    %mul3A_0 = arith.muli %arg1, %mul3A : i32
    %add3A = arith.addi %mul3A_0, %arg0 : i32
    %mul3A_1 = arith.constant 128 : i32
    %mul3A_2 = arith.muli %add3A, %mul3A_1 : i32
    %add3A_3 = arith.constant 4096 : i32
    %add3A_4 = arith.addi %add3A_3, %mul3A_2 : i32
    "tpu.region"() ({
      %run_scoped3A = tpu.sem_alloc : memref<!tpu.dma_semaphore, #tpu.memory_space<semaphore_mem>>
      tpu.enqueue_dma source(%arg3 : memref<8x2048xf32, #tpu.memory_space<hbm>>) target(%arg7 : memref<8x2048xf32, #tpu.memory_space<vmem>>) target_semaphore(%run_scoped3A : memref<!tpu.dma_semaphore, #tpu.memory_space<semaphore_mem>>)
      tpu.wait_dma2 semaphore(%run_scoped3A : memref<!tpu.dma_semaphore, #tpu.memory_space<semaphore_mem>>) src(%arg3 : memref<8x2048xf32, #tpu.memory_space<hbm>>) dst(%arg7 : memref<8x2048xf32, #tpu.memory_space<vmem>>)
      tpu.yield
    }) : () -> ()
    %iota3A = tpu.iota {dimensions = array<i32: 0>} : vector<16xi32>
    %eq3A = arith.constant 15 : i32
    %eq3A_5 = vector.broadcast %eq3A : i32 to vector<16xi32>
    %eq3A_6 = arith.cmpi eq, %iota3A, %eq3A_5 : vector<16xi32>
    %add3A_7 = arith.constant 0 : i32
    %add3A_8 = arith.addi %add3A_4, %add3A_7 : i32
    %dma_start3A = arith.constant 3 : i32
    %dma_start3A_9 = arith.constant 0 : i32
    %dma_start3A_10 = arith.constant 0 : i32
    %dma_start3A_11 = arith.constant 0 : i32
    %dma_start3A_12 = tpu.memref_slice %arg8[%dma_start3A_9, %dma_start3A_10, %dma_start3A_11] : memref<2x16x2048xf32, #tpu.memory_space<vmem>> -> memref<1x16x2048xf32, #tpu.memory_space<vmem>>
    %dma_start3A_13 = tpu.memref_squeeze %dma_start3A_12 : memref<1x16x2048xf32, #tpu.memory_space<vmem>> -> memref<16x2048xf32, #tpu.memory_space<vmem>>
    %dma_start3A_14 = arith.constant 0 : i32
    %dma_start3A_15 = tpu.memref_slice %arg2[%dma_start3A, %add3A_8, %dma_start3A_14] : memref<4x8192x2048xf32, #tpu.memory_space<hbm>> -> memref<1x16x2048xf32, #tpu.memory_space<hbm>>
    %dma_start3A_16 = tpu.memref_squeeze %dma_start3A_15 : memref<1x16x2048xf32, #tpu.memory_space<hbm>> -> memref<16x2048xf32, #tpu.memory_space<hbm>>
    %dma_start3A_17 = arith.constant 0 : i32
    %dma_start3A_18 = arith.constant 0 : i32
    %dma_start3A_19 = tpu.memref_slice %arg8[%dma_start3A_9, %dma_start3A_17, %dma_start3A_18] : memref<2x16x2048xf32, #tpu.memory_space<vmem>> -> memref<1x16x2048xf32, #tpu.memory_space<vmem>>
    %dma_start3A_20 = tpu.memref_squeeze %dma_start3A_19 : memref<1x16x2048xf32, #tpu.memory_space<vmem>> -> memref<16x2048xf32, #tpu.memory_space<vmem>>
    %dma_start3A_21 = arith.constant 0 : i32
    %dma_start3A_22 = tpu.memref_slice %arg2[%dma_start3A, %add3A_8, %dma_start3A_21] : memref<4x8192x2048xf32, #tpu.memory_space<hbm>> -> memref<1x16x2048xf32, #tpu.memory_space<hbm>>
    %dma_start3A_23 = tpu.memref_squeeze %dma_start3A_22 : memref<1x16x2048xf32, #tpu.memory_space<hbm>> -> memref<16x2048xf32, #tpu.memory_space<hbm>>
    tpu.enqueue_dma source(%dma_start3A_23 : memref<16x2048xf32, #tpu.memory_space<hbm>>) target(%dma_start3A_20 : memref<16x2048xf32, #tpu.memory_space<vmem>>) target_semaphore(%arg12 : memref<!tpu.dma_semaphore, #tpu.memory_space<semaphore_mem>>)
    %scan3A = arith.constant 0 : i32
    %scan3A_24 = arith.constant 0 : i32
    %scan3A_25 = arith.constant 4 : i32
    %scan3A_26 = arith.addi %scan3A_24, %scan3A_25 : i32
    %scan3A_27 = arith.constant 1 : i32
    scf.for %scan3A_47 = %scan3A_24 to %scan3A_26 step %scan3A_27  : i32 {
      %mul3A_48 = arith.constant 2 : i32
      %mul3A_49 = arith.muli %mul3A_48, %scan3A_47 : i32
      %add3A_50 = arith.constant 1 : i32
      %add3A_51 = arith.addi %mul3A_49, %add3A_50 : i32
      %mul3A_52 = arith.constant 16 : i32
      %mul3A_53 = arith.muli %add3A_51, %mul3A_52 : i32
      %add3A_54 = arith.addi %add3A_4, %mul3A_53 : i32
      %dma_start3A_55 = arith.constant 3 : i32
      %dma_start3A_56 = arith.constant 1 : i32
      %dma_start3A_57 = arith.constant 0 : i32
      %dma_start3A_58 = arith.constant 0 : i32
      %dma_start3A_59 = tpu.memref_slice %arg8[%dma_start3A_56, %dma_start3A_57, %dma_start3A_58] : memref<2x16x2048xf32, #tpu.memory_space<vmem>> -> memref<1x16x2048xf32, #tpu.memory_space<vmem>>
      %dma_start3A_60 = tpu.memref_squeeze %dma_start3A_59 : memref<1x16x2048xf32, #tpu.memory_space<vmem>> -> memref<16x2048xf32, #tpu.memory_space<vmem>>
      %dma_start3A_61 = arith.constant 0 : i32
      %dma_start3A_62 = tpu.memref_slice %arg2[%dma_start3A_55, %add3A_54, %dma_start3A_61] : memref<4x8192x2048xf32, #tpu.memory_space<hbm>> -> memref<1x16x2048xf32, #tpu.memory_space<hbm>>
      %dma_start3A_63 = tpu.memref_squeeze %dma_start3A_62 : memref<1x16x2048xf32, #tpu.memory_space<hbm>> -> memref<16x2048xf32, #tpu.memory_space<hbm>>
      %dma_start3A_64 = arith.constant 0 : i32
      %dma_start3A_65 = arith.constant 0 : i32
      %dma_start3A_66 = tpu.memref_slice %arg8[%dma_start3A_56, %dma_start3A_64, %dma_start3A_65] : memref<2x16x2048xf32, #tpu.memory_space<vmem>> -> memref<1x16x2048xf32, #tpu.memory_space<vmem>>
      %dma_start3A_67 = tpu.memref_squeeze %dma_start3A_66 : memref<1x16x2048xf32, #tpu.memory_space<vmem>> -> memref<16x2048xf32, #tpu.memory_space<vmem>>
      %dma_start3A_68 = arith.constant 0 : i32
      %dma_start3A_69 = tpu.memref_slice %arg2[%dma_start3A_55, %add3A_54, %dma_start3A_68] : memref<4x8192x2048xf32, #tpu.memory_space<hbm>> -> memref<1x16x2048xf32, #tpu.memory_space<hbm>>
      %dma_start3A_70 = tpu.memref_squeeze %dma_start3A_69 : memref<1x16x2048xf32, #tpu.memory_space<hbm>> -> memref<16x2048xf32, #tpu.memory_space<hbm>>
      tpu.enqueue_dma source(%dma_start3A_70 : memref<16x2048xf32, #tpu.memory_space<hbm>>) target(%dma_start3A_67 : memref<16x2048xf32, #tpu.memory_space<vmem>>) target_semaphore(%arg13 : memref<!tpu.dma_semaphore, #tpu.memory_space<semaphore_mem>>)
      %mul3A_71 = arith.constant 16 : i32
      %mul3A_72 = arith.muli %mul3A_49, %mul3A_71 : i32
      %add3A_73 = arith.addi %add3A_4, %mul3A_72 : i32
      %dma_wait3A = arith.constant 3 : i32
      %dma_wait3A_74 = arith.constant 0 : i32
      %dma_wait3A_75 = arith.constant 0 : i32
      %dma_wait3A_76 = arith.constant 0 : i32
      %dma_wait3A_77 = tpu.memref_slice %arg8[%dma_wait3A_74, %dma_wait3A_75, %dma_wait3A_76] : memref<2x16x2048xf32, #tpu.memory_space<vmem>> -> memref<1x16x2048xf32, #tpu.memory_space<vmem>>
      %dma_wait3A_78 = tpu.memref_squeeze %dma_wait3A_77 : memref<1x16x2048xf32, #tpu.memory_space<vmem>> -> memref<16x2048xf32, #tpu.memory_space<vmem>>
      %dma_wait3A_79 = arith.constant 0 : i32
      %dma_wait3A_80 = tpu.memref_slice %arg2[%dma_wait3A, %add3A_73, %dma_wait3A_79] : memref<4x8192x2048xf32, #tpu.memory_space<hbm>> -> memref<1x16x2048xf32, #tpu.memory_space<hbm>>
      %dma_wait3A_81 = tpu.memref_squeeze %dma_wait3A_80 : memref<1x16x2048xf32, #tpu.memory_space<hbm>> -> memref<16x2048xf32, #tpu.memory_space<hbm>>
      %dma_wait3A_82 = arith.constant 0 : i32
      %dma_wait3A_83 = arith.constant 0 : i32
      %dma_wait3A_84 = tpu.memref_slice %arg8[%dma_wait3A_74, %dma_wait3A_82, %dma_wait3A_83] : memref<2x16x2048xf32, #tpu.memory_space<vmem>> -> memref<1x16x2048xf32, #tpu.memory_space<vmem>>
      %dma_wait3A_85 = tpu.memref_squeeze %dma_wait3A_84 : memref<1x16x2048xf32, #tpu.memory_space<vmem>> -> memref<16x2048xf32, #tpu.memory_space<vmem>>
      %dma_wait3A_86 = arith.constant 0 : i32
      %dma_wait3A_87 = tpu.memref_slice %arg2[%dma_wait3A, %add3A_73, %dma_wait3A_86] : memref<4x8192x2048xf32, #tpu.memory_space<hbm>> -> memref<1x16x2048xf32, #tpu.memory_space<hbm>>
      %dma_wait3A_88 = tpu.memref_squeeze %dma_wait3A_87 : memref<1x16x2048xf32, #tpu.memory_space<hbm>> -> memref<16x2048xf32, #tpu.memory_space<hbm>>
      tpu.wait_dma2 semaphore(%arg12 : memref<!tpu.dma_semaphore, #tpu.memory_space<semaphore_mem>>) src(%dma_wait3A_88 : memref<16x2048xf32, #tpu.memory_space<hbm>>) dst(%dma_wait3A_85 : memref<16x2048xf32, #tpu.memory_space<vmem>>)
      %scan3A_89 = arith.constant 0 : i32
      %scan3A_90 = arith.constant 0 : i32
      %scan3A_91 = arith.constant 4 : i32
      %scan3A_92 = arith.addi %scan3A_90, %scan3A_91 : i32
      %scan3A_93 = arith.constant 1 : i32
      scf.for %scan3A_128 = %scan3A_90 to %scan3A_92 step %scan3A_93  : i32 {
        %broadcast_in_dim3A_129 = arith.constant 0.000000e+00 : f32
        %broadcast_in_dim3A_130 = vector.broadcast %broadcast_in_dim3A_129 : f32 to vector<16xf32>
        %scan3A_131 = arith.constant 0 : i32
        %scan3A_132 = arith.constant 128 : i32
        %scan3A_133 = arith.addi %scan3A_131, %scan3A_132 : i32
        %scan3A_134 = arith.constant 1 : i32
        %scan3A_135:32 = scf.for %scan3A_420 = %scan3A_131 to %scan3A_133 step %scan3A_134 iter_args(%scan3A_421 = %broadcast_in_dim3A_130, %scan3A_422 = %broadcast_in_dim3A_130, %scan3A_423 = %broadcast_in_dim3A_130, %scan3A_424 = %broadcast_in_dim3A_130, %scan3A_425 = %broadcast_in_dim3A_130, %scan3A_426 = %broadcast_in_dim3A_130, %scan3A_427 = %broadcast_in_dim3A_130, %scan3A_428 = %broadcast_in_dim3A_130, %scan3A_429 = %broadcast_in_dim3A_130, %scan3A_430 = %broadcast_in_dim3A_130, %scan3A_431 = %broadcast_in_dim3A_130, %scan3A_432 = %broadcast_in_dim3A_130, %scan3A_433 = %broadcast_in_dim3A_130, %scan3A_434 = %broadcast_in_dim3A_130, %scan3A_435 = %broadcast_in_dim3A_130, %scan3A_436 = %broadcast_in_dim3A_130, %scan3A_437 = %broadcast_in_dim3A_130, %scan3A_438 = %broadcast_in_dim3A_130, %scan3A_439 = %broadcast_in_dim3A_130, %scan3A_440 = %broadcast_in_dim3A_130, %scan3A_441 = %broadcast_in_dim3A_130, %scan3A_442 = %broadcast_in_dim3A_130, %scan3A_443 = %broadcast_in_dim3A_130, %scan3A_444 = %broadcast_in_dim3A_130, %scan3A_445 = %broadcast_in_dim3A_130, %scan3A_446 = %broadcast_in_dim3A_130, %scan3A_447 = %broadcast_in_dim3A_130, %scan3A_448 = %broadcast_in_dim3A_130, %scan3A_449 = %broadcast_in_dim3A_130, %scan3A_450 = %broadcast_in_dim3A_130, %scan3A_451 = %broadcast_in_dim3A_130, %scan3A_452 = %broadcast_in_dim3A_130) -> (vector<16xf32>, vector<16xf32>, vector<16xf32>, vector<16xf32>, vector<16xf32>, vector<16xf32>, vector<16xf32>, vector<16xf32>, vector<16xf32>, vector<16xf32>, vector<16xf32>, vector<16xf32>, vector<16xf32>, vector<16xf32>, vector<16xf32>, vector<16xf32>, vector<16xf32>, vector<16xf32>, vector<16xf32>, vector<16xf32>, vector<16xf32>, vector<16xf32>, vector<16xf32>, vector<16xf32>, vector<16xf32>, vector<16xf32>, vector<16xf32>, vector<16xf32>, vector<16xf32>, vector<16xf32>, vector<16xf32>, vector<16xf32>)  : i32 {
          %mul3A_453 = arith.constant 16 : i32
          %mul3A_454 = arith.muli %scan3A_420, %mul3A_453 : i32
          %get3A = arith.constant 0 : i32
          %get3A_455 = arith.index_cast %get3A : i32 to index
          %get3A_456 = arith.index_cast %mul3A_454 : i32 to index
          %get3A_457 = tpu.vector_load %arg7[%get3A_455, %get3A_456] {strides = array<i32>} : memref<8x2048xf32, #tpu.memory_space<vmem>>, vector<16xf32>,
          %get3A_458 = arith.constant 1 : i32
          %get3A_459 = arith.index_cast %get3A_458 : i32 to index
          %get3A_460 = arith.index_cast %mul3A_454 : i32 to index
          %get3A_461 = tpu.vector_load %arg7[%get3A_459, %get3A_460] {strides = array<i32>} : memref<8x2048xf32, #tpu.memory_space<vmem>>, vector<16xf32>,
          %get3A_462 = arith.constant 2 : i32
          %get3A_463 = arith.index_cast %get3A_462 : i32 to index
          %get3A_464 = arith.index_cast %mul3A_454 : i32 to index
          %get3A_465 = tpu.vector_load %arg7[%get3A_463, %get3A_464] {strides = array<i32>} : memref<8x2048xf32, #tpu.memory_space<vmem>>, vector<16xf32>,
          %get3A_466 = arith.constant 3 : i32
          %get3A_467 = arith.index_cast %get3A_466 : i32 to index
          %get3A_468 = arith.index_cast %mul3A_454 : i32 to index
          %get3A_469 = tpu.vector_load %arg7[%get3A_467, %get3A_468] {strides = array<i32>} : memref<8x2048xf32, #tpu.memory_space<vmem>>, vector<16xf32>,
          %get3A_470 = arith.constant 4 : i32
          %get3A_471 = arith.index_cast %get3A_470 : i32 to index
          %get3A_472 = arith.index_cast %mul3A_454 : i32 to index
          %get3A_473 = tpu.vector_load %arg7[%get3A_471, %get3A_472] {strides = array<i32>} : memref<8x2048xf32, #tpu.memory_space<vmem>>, vector<16xf32>,
          %get3A_474 = arith.constant 5 : i32
          %get3A_475 = arith.index_cast %get3A_474 : i32 to index
          %get3A_476 = arith.index_cast %mul3A_454 : i32 to index
          %get3A_477 = tpu.vector_load %arg7[%get3A_475, %get3A_476] {strides = array<i32>} : memref<8x2048xf32, #tpu.memory_space<vmem>>, vector<16xf32>,
          %get3A_478 = arith.constant 6 : i32
          %get3A_479 = arith.index_cast %get3A_478 : i32 to index
          %get3A_480 = arith.index_cast %mul3A_454 : i32 to index
          %get3A_481 = tpu.vector_load %arg7[%get3A_479, %get3A_480] {strides = array<i32>} : memref<8x2048xf32, #tpu.memory_space<vmem>>, vector<16xf32>,
          %get3A_482 = arith.constant 7 : i32
          %get3A_483 = arith.index_cast %get3A_482 : i32 to index
          %get3A_484 = arith.index_cast %mul3A_454 : i32 to index
          %get3A_485 = tpu.vector_load %arg7[%get3A_483, %get3A_484] {strides = array<i32>} : memref<8x2048xf32, #tpu.memory_space<vmem>>, vector<16xf32>,
          %mul3A_486 = arith.constant 4 : i32
          %mul3A_487 = arith.muli %scan3A_128, %mul3A_486 : i32
          %add3A_488 = arith.constant 0 : i32
          %add3A_489 = arith.addi %mul3A_487, %add3A_488 : i32
          %get3A_490 = arith.constant 0 : i32
          %get3A_491 = arith.index_cast %get3A_490 : i32 to index
          %get3A_492 = arith.index_cast %add3A_489 : i32 to index
          %get3A_493 = arith.index_cast %mul3A_454 : i32 to index
          %get3A_494 = tpu.vector_load %arg8[%get3A_491, %get3A_492, %get3A_493] {strides = array<i32>} : memref<2x16x2048xf32, #tpu.memory_space<vmem>>, vector<16xf32>,
          %bitcast_convert_type3A = tpu.bitcast %get3A_494 : vector<16xf32> -> vector<16xi32>
          %add3A_495 = arith.constant 32768 : i32
          %add3A_496 = vector.broadcast %add3A_495 : i32 to vector<16xi32>
          %add3A_497 = arith.addi %bitcast_convert_type3A, %add3A_496 : vector<16xi32>
          %and3A = arith.constant -65536 : i32
          %and3A_498 = vector.broadcast %and3A : i32 to vector<16xi32>
          %and3A_499 = arith.andi %add3A_497, %and3A_498 : vector<16xi32>
          %bitcast_convert_type3A_500 = tpu.bitcast %and3A_499 : vector<16xi32> -> vector<16xf32>
          %mul3A_501 = arith.mulf %bitcast_convert_type3A_500, %get3A_457 : vector<16xf32>
          %add3A_502 = arith.addf %scan3A_421, %mul3A_501 : vector<16xf32>
          %mul3A_503 = arith.mulf %bitcast_convert_type3A_500, %get3A_461 : vector<16xf32>
          %add3A_504 = arith.addf %scan3A_422, %mul3A_503 : vector<16xf32>
          %mul3A_505 = arith.mulf %bitcast_convert_type3A_500, %get3A_465 : vector<16xf32>
          %add3A_506 = arith.addf %scan3A_423, %mul3A_505 : vector<16xf32>
          %mul3A_507 = arith.mulf %bitcast_convert_type3A_500, %get3A_469 : vector<16xf32>
          %add3A_508 = arith.addf %scan3A_424, %mul3A_507 : vector<16xf32>
          %mul3A_509 = arith.mulf %bitcast_convert_type3A_500, %get3A_473 : vector<16xf32>
          %add3A_510 = arith.addf %scan3A_425, %mul3A_509 : vector<16xf32>
          %mul3A_511 = arith.mulf %bitcast_convert_type3A_500, %get3A_477 : vector<16xf32>
          %add3A_512 = arith.addf %scan3A_426, %mul3A_511 : vector<16xf32>
          %mul3A_513 = arith.mulf %bitcast_convert_type3A_500, %get3A_481 : vector<16xf32>
          %add3A_514 = arith.addf %scan3A_427, %mul3A_513 : vector<16xf32>
          %mul3A_515 = arith.mulf %bitcast_convert_type3A_500, %get3A_485 : vector<16xf32>
          %add3A_516 = arith.addf %scan3A_428, %mul3A_515 : vector<16xf32>
          %mul3A_517 = arith.constant 4 : i32
          %mul3A_518 = arith.muli %scan3A_128, %mul3A_517 : i32
          %add3A_519 = arith.constant 1 : i32
          %add3A_520 = arith.addi %mul3A_518, %add3A_519 : i32
          %get3A_521 = arith.constant 0 : i32
          %get3A_522 = arith.index_cast %get3A_521 : i32 to index
          %get3A_523 = arith.index_cast %add3A_520 : i32 to index
          %get3A_524 = arith.index_cast %mul3A_454 : i32 to index
          %get3A_525 = tpu.vector_load %arg8[%get3A_522, %get3A_523, %get3A_524] {strides = array<i32>} : memref<2x16x2048xf32, #tpu.memory_space<vmem>>, vector<16xf32>,
          %bitcast_convert_type3A_526 = tpu.bitcast %get3A_525 : vector<16xf32> -> vector<16xi32>
          %add3A_527 = arith.constant 32768 : i32
          %add3A_528 = vector.broadcast %add3A_527 : i32 to vector<16xi32>
          %add3A_529 = arith.addi %bitcast_convert_type3A_526, %add3A_528 : vector<16xi32>
          %and3A_530 = arith.constant -65536 : i32
          %and3A_531 = vector.broadcast %and3A_530 : i32 to vector<16xi32>
          %and3A_532 = arith.andi %add3A_529, %and3A_531 : vector<16xi32>
          %bitcast_convert_type3A_533 = tpu.bitcast %and3A_532 : vector<16xi32> -> vector<16xf32>
          %mul3A_534 = arith.mulf %bitcast_convert_type3A_533, %get3A_457 : vector<16xf32>
          %add3A_535 = arith.addf %scan3A_429, %mul3A_534 : vector<16xf32>
          %mul3A_536 = arith.mulf %bitcast_convert_type3A_533, %get3A_461 : vector<16xf32>
          %add3A_537 = arith.addf %scan3A_430, %mul3A_536 : vector<16xf32>
          %mul3A_538 = arith.mulf %bitcast_convert_type3A_533, %get3A_465 : vector<16xf32>
          %add3A_539 = arith.addf %scan3A_431, %mul3A_538 : vector<16xf32>
          %mul3A_540 = arith.mulf %bitcast_convert_type3A_533, %get3A_469 : vector<16xf32>
          %add3A_541 = arith.addf %scan3A_432, %mul3A_540 : vector<16xf32>
          %mul3A_542 = arith.mulf %bitcast_convert_type3A_533, %get3A_473 : vector<16xf32>
          %add3A_543 = arith.addf %scan3A_433, %mul3A_542 : vector<16xf32>
          %mul3A_544 = arith.mulf %bitcast_convert_type3A_533, %get3A_477 : vector<16xf32>
          %add3A_545 = arith.addf %scan3A_434, %mul3A_544 : vector<16xf32>
          %mul3A_546 = arith.mulf %bitcast_convert_type3A_533, %get3A_481 : vector<16xf32>
          %add3A_547 = arith.addf %scan3A_435, %mul3A_546 : vector<16xf32>
          %mul3A_548 = arith.mulf %bitcast_convert_type3A_533, %get3A_485 : vector<16xf32>
          %add3A_549 = arith.addf %scan3A_436, %mul3A_548 : vector<16xf32>
          %mul3A_550 = arith.constant 4 : i32
          %mul3A_551 = arith.muli %scan3A_128, %mul3A_550 : i32
          %add3A_552 = arith.constant 2 : i32
          %add3A_553 = arith.addi %mul3A_551, %add3A_552 : i32
          %get3A_554 = arith.constant 0 : i32
          %get3A_555 = arith.index_cast %get3A_554 : i32 to index
          %get3A_556 = arith.index_cast %add3A_553 : i32 to index
          %get3A_557 = arith.index_cast %mul3A_454 : i32 to index
          %get3A_558 = tpu.vector_load %arg8[%get3A_555, %get3A_556, %get3A_557] {strides = array<i32>} : memref<2x16x2048xf32, #tpu.memory_space<vmem>>, vector<16xf32>,
          %bitcast_convert_type3A_559 = tpu.bitcast %get3A_558 : vector<16xf32> -> vector<16xi32>
          %add3A_560 = arith.constant 32768 : i32
          %add3A_561 = vector.broadcast %add3A_560 : i32 to vector<16xi32>
          %add3A_562 = arith.addi %bitcast_convert_type3A_559, %add3A_561 : vector<16xi32>
          %and3A_563 = arith.constant -65536 : i32
          %and3A_564 = vector.broadcast %and3A_563 : i32 to vector<16xi32>
          %and3A_565 = arith.andi %add3A_562, %and3A_564 : vector<16xi32>
          %bitcast_convert_type3A_566 = tpu.bitcast %and3A_565 : vector<16xi32> -> vector<16xf32>
          %mul3A_567 = arith.mulf %bitcast_convert_type3A_566, %get3A_457 : vector<16xf32>
          %add3A_568 = arith.addf %scan3A_437, %mul3A_567 : vector<16xf32>
          %mul3A_569 = arith.mulf %bitcast_convert_type3A_566, %get3A_461 : vector<16xf32>
          %add3A_570 = arith.addf %scan3A_438, %mul3A_569 : vector<16xf32>
          %mul3A_571 = arith.mulf %bitcast_convert_type3A_566, %get3A_465 : vector<16xf32>
          %add3A_572 = arith.addf %scan3A_439, %mul3A_571 : vector<16xf32>
          %mul3A_573 = arith.mulf %bitcast_convert_type3A_566, %get3A_469 : vector<16xf32>
          %add3A_574 = arith.addf %scan3A_440, %mul3A_573 : vector<16xf32>
          %mul3A_575 = arith.mulf %bitcast_convert_type3A_566, %get3A_473 : vector<16xf32>
          %add3A_576 = arith.addf %scan3A_441, %mul3A_575 : vector<16xf32>
          %mul3A_577 = arith.mulf %bitcast_convert_type3A_566, %get3A_477 : vector<16xf32>
          %add3A_578 = arith.addf %scan3A_442, %mul3A_577 : vector<16xf32>
          %mul3A_579 = arith.mulf %bitcast_convert_type3A_566, %get3A_481 : vector<16xf32>
          %add3A_580 = arith.addf %scan3A_443, %mul3A_579 : vector<16xf32>
          %mul3A_581 = arith.mulf %bitcast_convert_type3A_566, %get3A_485 : vector<16xf32>
          %add3A_582 = arith.addf %scan3A_444, %mul3A_581 : vector<16xf32>
          %mul3A_583 = arith.constant 4 : i32
          %mul3A_584 = arith.muli %scan3A_128, %mul3A_583 : i32
          %add3A_585 = arith.constant 3 : i32
          %add3A_586 = arith.addi %mul3A_584, %add3A_585 : i32
          %get3A_587 = arith.constant 0 : i32
          %get3A_588 = arith.index_cast %get3A_587 : i32 to index
          %get3A_589 = arith.index_cast %add3A_586 : i32 to index
          %get3A_590 = arith.index_cast %mul3A_454 : i32 to index
          %get3A_591 = tpu.vector_load %arg8[%get3A_588, %get3A_589, %get3A_590] {strides = array<i32>} : memref<2x16x2048xf32, #tpu.memory_space<vmem>>, vector<16xf32>,
          %bitcast_convert_type3A_592 = tpu.bitcast %get3A_591 : vector<16xf32> -> vector<16xi32>
          %add3A_593 = arith.constant 32768 : i32
          %add3A_594 = vector.broadcast %add3A_593 : i32 to vector<16xi32>
          %add3A_595 = arith.addi %bitcast_convert_type3A_592, %add3A_594 : vector<16xi32>
          %and3A_596 = arith.constant -65536 : i32
          %and3A_597 = vector.broadcast %and3A_596 : i32 to vector<16xi32>
          %and3A_598 = arith.andi %add3A_595, %and3A_597 : vector<16xi32>
          %bitcast_convert_type3A_599 = tpu.bitcast %and3A_598 : vector<16xi32> -> vector<16xf32>
          %mul3A_600 = arith.mulf %bitcast_convert_type3A_599, %get3A_457 : vector<16xf32>
          %add3A_601 = arith.addf %scan3A_445, %mul3A_600 : vector<16xf32>
          %mul3A_602 = arith.mulf %bitcast_convert_type3A_599, %get3A_461 : vector<16xf32>
          %add3A_603 = arith.addf %scan3A_446, %mul3A_602 : vector<16xf32>
          %mul3A_604 = arith.mulf %bitcast_convert_type3A_599, %get3A_465 : vector<16xf32>
          %add3A_605 = arith.addf %scan3A_447, %mul3A_604 : vector<16xf32>
          %mul3A_606 = arith.mulf %bitcast_convert_type3A_599, %get3A_469 : vector<16xf32>
          %add3A_607 = arith.addf %scan3A_448, %mul3A_606 : vector<16xf32>
          %mul3A_608 = arith.mulf %bitcast_convert_type3A_599, %get3A_473 : vector<16xf32>
          %add3A_609 = arith.addf %scan3A_449, %mul3A_608 : vector<16xf32>
          %mul3A_610 = arith.mulf %bitcast_convert_type3A_599, %get3A_477 : vector<16xf32>
          %add3A_611 = arith.addf %scan3A_450, %mul3A_610 : vector<16xf32>
          %mul3A_612 = arith.mulf %bitcast_convert_type3A_599, %get3A_481 : vector<16xf32>
          %add3A_613 = arith.addf %scan3A_451, %mul3A_612 : vector<16xf32>
          %mul3A_614 = arith.mulf %bitcast_convert_type3A_599, %get3A_485 : vector<16xf32>
          %add3A_615 = arith.addf %scan3A_452, %mul3A_614 : vector<16xf32>
          scf.yield %add3A_502, %add3A_504, %add3A_506, %add3A_508, %add3A_510, %add3A_512, %add3A_514, %add3A_516, %add3A_535, %add3A_537, %add3A_539, %add3A_541, %add3A_543, %add3A_545, %add3A_547, %add3A_549, %add3A_568, %add3A_570, %add3A_572, %add3A_574, %add3A_576, %add3A_578, %add3A_580, %add3A_582, %add3A_601, %add3A_603, %add3A_605, %add3A_607, %add3A_609, %add3A_611, %add3A_613, %add3A_615 : vector<16xf32>, vector<16xf32>, vector<16xf32>, vector<16xf32>, vector<16xf32>, vector<16xf32>, vector<16xf32>, vector<16xf32>, vector<16xf32>, vector<16xf32>, vector<16xf32>, vector<16xf32>, vector<16xf32>, vector<16xf32>, vector<16xf32>, vector<16xf32>, vector<16xf32>, vector<16xf32>, vector<16xf32>, vector<16xf32>, vector<16xf32>, vector<16xf32>, vector<16xf32>, vector<16xf32>, vector<16xf32>, vector<16xf32>, vector<16xf32>, vector<16xf32>, vector<16xf32>, vector<16xf32>, vector<16xf32>, vector<16xf32>
        }
        %scan3A_136 = arith.constant 128 : i32
        %mul3A_137 = arith.constant 16 : i32
        %mul3A_138 = arith.muli %mul3A_49, %mul3A_137 : i32
        %mul3A_139 = arith.constant 4 : i32
        %mul3A_140 = arith.muli %scan3A_128, %mul3A_139 : i32
        %add3A_141 = arith.addi %mul3A_138, %mul3A_140 : i32
        %add3A_142 = arith.constant 0 : i32
        %add3A_143 = arith.addi %add3A_141, %add3A_142 : i32
        %broadcast_in_dim3A_144 = arith.constant true
        %broadcast_in_dim3A_145 = vector.broadcast %broadcast_in_dim3A_144 : i1 to vector<16xi1>
        %masked_cumsum3A = tpu.scan <sum>, %scan3A_135#0 masked %broadcast_in_dim3A_145 : vector<16xf32>, vector<16xi1> -> vector<16xf32>
        %mul3A_146 = arith.constant 8 : i32
        %mul3A_147 = arith.muli %add3A_143, %mul3A_146 : i32
        %add3A_148 = arith.constant 0 : i32
        %add3A_149 = arith.addi %mul3A_147, %add3A_148 : i32
        %broadcast_in_dim3A_150 = vector.broadcast %add3A_149 : i32 to vector<16xi32>
        tpu.vector_store_idx %arg9[%broadcast_in_dim3A_150], %masked_cumsum3A masked %eq3A_6 : memref<1024xf32, #tpu.memory_space<vmem>>[vector<16xi32>], vector<16xf32>, vector<16xi1>
        %broadcast_in_dim3A_151 = arith.constant true
        %broadcast_in_dim3A_152 = vector.broadcast %broadcast_in_dim3A_151 : i1 to vector<16xi1>
        %masked_cumsum3A_153 = tpu.scan <sum>, %scan3A_135#1 masked %broadcast_in_dim3A_152 : vector<16xf32>, vector<16xi1> -> vector<16xf32>
        %mul3A_154 = arith.constant 8 : i32
        %mul3A_155 = arith.muli %add3A_143, %mul3A_154 : i32
        %add3A_156 = arith.constant 1 : i32
        %add3A_157 = arith.addi %mul3A_155, %add3A_156 : i32
        %broadcast_in_dim3A_158 = vector.broadcast %add3A_157 : i32 to vector<16xi32>
        tpu.vector_store_idx %arg9[%broadcast_in_dim3A_158], %masked_cumsum3A_153 masked %eq3A_6 : memref<1024xf32, #tpu.memory_space<vmem>>[vector<16xi32>], vector<16xf32>, vector<16xi1>
        %broadcast_in_dim3A_159 = arith.constant true
        %broadcast_in_dim3A_160 = vector.broadcast %broadcast_in_dim3A_159 : i1 to vector<16xi1>
        %masked_cumsum3A_161 = tpu.scan <sum>, %scan3A_135#2 masked %broadcast_in_dim3A_160 : vector<16xf32>, vector<16xi1> -> vector<16xf32>
        %mul3A_162 = arith.constant 8 : i32
        %mul3A_163 = arith.muli %add3A_143, %mul3A_162 : i32
        %add3A_164 = arith.constant 2 : i32
        %add3A_165 = arith.addi %mul3A_163, %add3A_164 : i32
        %broadcast_in_dim3A_166 = vector.broadcast %add3A_165 : i32 to vector<16xi32>
        tpu.vector_store_idx %arg9[%broadcast_in_dim3A_166], %masked_cumsum3A_161 masked %eq3A_6 : memref<1024xf32, #tpu.memory_space<vmem>>[vector<16xi32>], vector<16xf32>, vector<16xi1>
        %broadcast_in_dim3A_167 = arith.constant true
        %broadcast_in_dim3A_168 = vector.broadcast %broadcast_in_dim3A_167 : i1 to vector<16xi1>
        %masked_cumsum3A_169 = tpu.scan <sum>, %scan3A_135#3 masked %broadcast_in_dim3A_168 : vector<16xf32>, vector<16xi1> -> vector<16xf32>
        %mul3A_170 = arith.constant 8 : i32
        %mul3A_171 = arith.muli %add3A_143, %mul3A_170 : i32
        %add3A_172 = arith.constant 3 : i32
        %add3A_173 = arith.addi %mul3A_171, %add3A_172 : i32
        %broadcast_in_dim3A_174 = vector.broadcast %add3A_173 : i32 to vector<16xi32>
        tpu.vector_store_idx %arg9[%broadcast_in_dim3A_174], %masked_cumsum3A_169 masked %eq3A_6 : memref<1024xf32, #tpu.memory_space<vmem>>[vector<16xi32>], vector<16xf32>, vector<16xi1>
        %broadcast_in_dim3A_175 = arith.constant true
        %broadcast_in_dim3A_176 = vector.broadcast %broadcast_in_dim3A_175 : i1 to vector<16xi1>
        %masked_cumsum3A_177 = tpu.scan <sum>, %scan3A_135#4 masked %broadcast_in_dim3A_176 : vector<16xf32>, vector<16xi1> -> vector<16xf32>
        %mul3A_178 = arith.constant 8 : i32
        %mul3A_179 = arith.muli %add3A_143, %mul3A_178 : i32
        %add3A_180 = arith.constant 4 : i32
        %add3A_181 = arith.addi %mul3A_179, %add3A_180 : i32
        %broadcast_in_dim3A_182 = vector.broadcast %add3A_181 : i32 to vector<16xi32>
        tpu.vector_store_idx %arg9[%broadcast_in_dim3A_182], %masked_cumsum3A_177 masked %eq3A_6 : memref<1024xf32, #tpu.memory_space<vmem>>[vector<16xi32>], vector<16xf32>, vector<16xi1>
        %broadcast_in_dim3A_183 = arith.constant true
        %broadcast_in_dim3A_184 = vector.broadcast %broadcast_in_dim3A_183 : i1 to vector<16xi1>
        %masked_cumsum3A_185 = tpu.scan <sum>, %scan3A_135#5 masked %broadcast_in_dim3A_184 : vector<16xf32>, vector<16xi1> -> vector<16xf32>
        %mul3A_186 = arith.constant 8 : i32
        %mul3A_187 = arith.muli %add3A_143, %mul3A_186 : i32
        %add3A_188 = arith.constant 5 : i32
        %add3A_189 = arith.addi %mul3A_187, %add3A_188 : i32
        %broadcast_in_dim3A_190 = vector.broadcast %add3A_189 : i32 to vector<16xi32>
        tpu.vector_store_idx %arg9[%broadcast_in_dim3A_190], %masked_cumsum3A_185 masked %eq3A_6 : memref<1024xf32, #tpu.memory_space<vmem>>[vector<16xi32>], vector<16xf32>, vector<16xi1>
        %broadcast_in_dim3A_191 = arith.constant true
        %broadcast_in_dim3A_192 = vector.broadcast %broadcast_in_dim3A_191 : i1 to vector<16xi1>
        %masked_cumsum3A_193 = tpu.scan <sum>, %scan3A_135#6 masked %broadcast_in_dim3A_192 : vector<16xf32>, vector<16xi1> -> vector<16xf32>
        %mul3A_194 = arith.constant 8 : i32
        %mul3A_195 = arith.muli %add3A_143, %mul3A_194 : i32
        %add3A_196 = arith.constant 6 : i32
        %add3A_197 = arith.addi %mul3A_195, %add3A_196 : i32
        %broadcast_in_dim3A_198 = vector.broadcast %add3A_197 : i32 to vector<16xi32>
        tpu.vector_store_idx %arg9[%broadcast_in_dim3A_198], %masked_cumsum3A_193 masked %eq3A_6 : memref<1024xf32, #tpu.memory_space<vmem>>[vector<16xi32>], vector<16xf32>, vector<16xi1>
        %broadcast_in_dim3A_199 = arith.constant true
        %broadcast_in_dim3A_200 = vector.broadcast %broadcast_in_dim3A_199 : i1 to vector<16xi1>
        %masked_cumsum3A_201 = tpu.scan <sum>, %scan3A_135#7 masked %broadcast_in_dim3A_200 : vector<16xf32>, vector<16xi1> -> vector<16xf32>
        %mul3A_202 = arith.constant 8 : i32
        %mul3A_203 = arith.muli %add3A_143, %mul3A_202 : i32
        %add3A_204 = arith.constant 7 : i32
        %add3A_205 = arith.addi %mul3A_203, %add3A_204 : i32
        %broadcast_in_dim3A_206 = vector.broadcast %add3A_205 : i32 to vector<16xi32>
        tpu.vector_store_idx %arg9[%broadcast_in_dim3A_206], %masked_cumsum3A_201 masked %eq3A_6 : memref<1024xf32, #tpu.memory_space<vmem>>[vector<16xi32>], vector<16xf32>, vector<16xi1>
        %mul3A_207 = arith.constant 16 : i32
        %mul3A_208 = arith.muli %mul3A_49, %mul3A_207 : i32
        %mul3A_209 = arith.constant 4 : i32
        %mul3A_210 = arith.muli %scan3A_128, %mul3A_209 : i32
        %add3A_211 = arith.addi %mul3A_208, %mul3A_210 : i32
        %add3A_212 = arith.constant 1 : i32
        %add3A_213 = arith.addi %add3A_211, %add3A_212 : i32
        %broadcast_in_dim3A_214 = arith.constant true
        %broadcast_in_dim3A_215 = vector.broadcast %broadcast_in_dim3A_214 : i1 to vector<16xi1>
        %masked_cumsum3A_216 = tpu.scan <sum>, %scan3A_135#8 masked %broadcast_in_dim3A_215 : vector<16xf32>, vector<16xi1> -> vector<16xf32>
        %mul3A_217 = arith.constant 8 : i32
        %mul3A_218 = arith.muli %add3A_213, %mul3A_217 : i32
        %add3A_219 = arith.constant 0 : i32
        %add3A_220 = arith.addi %mul3A_218, %add3A_219 : i32
        %broadcast_in_dim3A_221 = vector.broadcast %add3A_220 : i32 to vector<16xi32>
        tpu.vector_store_idx %arg9[%broadcast_in_dim3A_221], %masked_cumsum3A_216 masked %eq3A_6 : memref<1024xf32, #tpu.memory_space<vmem>>[vector<16xi32>], vector<16xf32>, vector<16xi1>
        %broadcast_in_dim3A_222 = arith.constant true
        %broadcast_in_dim3A_223 = vector.broadcast %broadcast_in_dim3A_222 : i1 to vector<16xi1>
        %masked_cumsum3A_224 = tpu.scan <sum>, %scan3A_135#9 masked %broadcast_in_dim3A_223 : vector<16xf32>, vector<16xi1> -> vector<16xf32>
        %mul3A_225 = arith.constant 8 : i32
        %mul3A_226 = arith.muli %add3A_213, %mul3A_225 : i32
        %add3A_227 = arith.constant 1 : i32
        %add3A_228 = arith.addi %mul3A_226, %add3A_227 : i32
        %broadcast_in_dim3A_229 = vector.broadcast %add3A_228 : i32 to vector<16xi32>
        tpu.vector_store_idx %arg9[%broadcast_in_dim3A_229], %masked_cumsum3A_224 masked %eq3A_6 : memref<1024xf32, #tpu.memory_space<vmem>>[vector<16xi32>], vector<16xf32>, vector<16xi1>
        %broadcast_in_dim3A_230 = arith.constant true
        %broadcast_in_dim3A_231 = vector.broadcast %broadcast_in_dim3A_230 : i1 to vector<16xi1>
        %masked_cumsum3A_232 = tpu.scan <sum>, %scan3A_135#10 masked %broadcast_in_dim3A_231 : vector<16xf32>, vector<16xi1> -> vector<16xf32>
        %mul3A_233 = arith.constant 8 : i32
        %mul3A_234 = arith.muli %add3A_213, %mul3A_233 : i32
        %add3A_235 = arith.constant 2 : i32
        %add3A_236 = arith.addi %mul3A_234, %add3A_235 : i32
        %broadcast_in_dim3A_237 = vector.broadcast %add3A_236 : i32 to vector<16xi32>
        tpu.vector_store_idx %arg9[%broadcast_in_dim3A_237], %masked_cumsum3A_232 masked %eq3A_6 : memref<1024xf32, #tpu.memory_space<vmem>>[vector<16xi32>], vector<16xf32>, vector<16xi1>
        %broadcast_in_dim3A_238 = arith.constant true
        %broadcast_in_dim3A_239 = vector.broadcast %broadcast_in_dim3A_238 : i1 to vector<16xi1>
        %masked_cumsum3A_240 = tpu.scan <sum>, %scan3A_135#11 masked %broadcast_in_dim3A_239 : vector<16xf32>, vector<16xi1> -> vector<16xf32>
        %mul3A_241 = arith.constant 8 : i32
        %mul3A_242 = arith.muli %add3A_213, %mul3A_241 : i32
        %add3A_243 = arith.constant 3 : i32
        %add3A_244 = arith.addi %mul3A_242, %add3A_243 : i32
        %broadcast_in_dim3A_245 = vector.broadcast %add3A_244 : i32 to vector<16xi32>
        tpu.vector_store_idx %arg9[%broadcast_in_dim3A_245], %masked_cumsum3A_240 masked %eq3A_6 : memref<1024xf32, #tpu.memory_space<vmem>>[vector<16xi32>], vector<16xf32>, vector<16xi1>
        %broadcast_in_dim3A_246 = arith.constant true
        %broadcast_in_dim3A_247 = vector.broadcast %broadcast_in_dim3A_246 : i1 to vector<16xi1>
        %masked_cumsum3A_248 = tpu.scan <sum>, %scan3A_135#12 masked %broadcast_in_dim3A_247 : vector<16xf32>, vector<16xi1> -> vector<16xf32>
        %mul3A_249 = arith.constant 8 : i32
        %mul3A_250 = arith.muli %add3A_213, %mul3A_249 : i32
        %add3A_251 = arith.constant 4 : i32
        %add3A_252 = arith.addi %mul3A_250, %add3A_251 : i32
        %broadcast_in_dim3A_253 = vector.broadcast %add3A_252 : i32 to vector<16xi32>
        tpu.vector_store_idx %arg9[%broadcast_in_dim3A_253], %masked_cumsum3A_248 masked %eq3A_6 : memref<1024xf32, #tpu.memory_space<vmem>>[vector<16xi32>], vector<16xf32>, vector<16xi1>
        %broadcast_in_dim3A_254 = arith.constant true
        %broadcast_in_dim3A_255 = vector.broadcast %broadcast_in_dim3A_254 : i1 to vector<16xi1>
        %masked_cumsum3A_256 = tpu.scan <sum>, %scan3A_135#13 masked %broadcast_in_dim3A_255 : vector<16xf32>, vector<16xi1> -> vector<16xf32>
        %mul3A_257 = arith.constant 8 : i32
        %mul3A_258 = arith.muli %add3A_213, %mul3A_257 : i32
        %add3A_259 = arith.constant 5 : i32
        %add3A_260 = arith.addi %mul3A_258, %add3A_259 : i32
        %broadcast_in_dim3A_261 = vector.broadcast %add3A_260 : i32 to vector<16xi32>
        tpu.vector_store_idx %arg9[%broadcast_in_dim3A_261], %masked_cumsum3A_256 masked %eq3A_6 : memref<1024xf32, #tpu.memory_space<vmem>>[vector<16xi32>], vector<16xf32>, vector<16xi1>
        %broadcast_in_dim3A_262 = arith.constant true
        %broadcast_in_dim3A_263 = vector.broadcast %broadcast_in_dim3A_262 : i1 to vector<16xi1>
        %masked_cumsum3A_264 = tpu.scan <sum>, %scan3A_135#14 masked %broadcast_in_dim3A_263 : vector<16xf32>, vector<16xi1> -> vector<16xf32>
        %mul3A_265 = arith.constant 8 : i32
        %mul3A_266 = arith.muli %add3A_213, %mul3A_265 : i32
        %add3A_267 = arith.constant 6 : i32
        %add3A_268 = arith.addi %mul3A_266, %add3A_267 : i32
        %broadcast_in_dim3A_269 = vector.broadcast %add3A_268 : i32 to vector<16xi32>
        tpu.vector_store_idx %arg9[%broadcast_in_dim3A_269], %masked_cumsum3A_264 masked %eq3A_6 : memref<1024xf32, #tpu.memory_space<vmem>>[vector<16xi32>], vector<16xf32>, vector<16xi1>
        %broadcast_in_dim3A_270 = arith.constant true
        %broadcast_in_dim3A_271 = vector.broadcast %broadcast_in_dim3A_270 : i1 to vector<16xi1>
        %masked_cumsum3A_272 = tpu.scan <sum>, %scan3A_135#15 masked %broadcast_in_dim3A_271 : vector<16xf32>, vector<16xi1> -> vector<16xf32>
        %mul3A_273 = arith.constant 8 : i32
        %mul3A_274 = arith.muli %add3A_213, %mul3A_273 : i32
        %add3A_275 = arith.constant 7 : i32
        %add3A_276 = arith.addi %mul3A_274, %add3A_275 : i32
        %broadcast_in_dim3A_277 = vector.broadcast %add3A_276 : i32 to vector<16xi32>
        tpu.vector_store_idx %arg9[%broadcast_in_dim3A_277], %masked_cumsum3A_272 masked %eq3A_6 : memref<1024xf32, #tpu.memory_space<vmem>>[vector<16xi32>], vector<16xf32>, vector<16xi1>
        %mul3A_278 = arith.constant 16 : i32
        %mul3A_279 = arith.muli %mul3A_49, %mul3A_278 : i32
        %mul3A_280 = arith.constant 4 : i32
        %mul3A_281 = arith.muli %scan3A_128, %mul3A_280 : i32
        %add3A_282 = arith.addi %mul3A_279, %mul3A_281 : i32
        %add3A_283 = arith.constant 2 : i32
        %add3A_284 = arith.addi %add3A_282, %add3A_283 : i32
        %broadcast_in_dim3A_285 = arith.constant true
        %broadcast_in_dim3A_286 = vector.broadcast %broadcast_in_dim3A_285 : i1 to vector<16xi1>
        %masked_cumsum3A_287 = tpu.scan <sum>, %scan3A_135#16 masked %broadcast_in_dim3A_286 : vector<16xf32>, vector<16xi1> -> vector<16xf32>
        %mul3A_288 = arith.constant 8 : i32
        %mul3A_289 = arith.muli %add3A_284, %mul3A_288 : i32
        %add3A_290 = arith.constant 0 : i32
        %add3A_291 = arith.addi %mul3A_289, %add3A_290 : i32
        %broadcast_in_dim3A_292 = vector.broadcast %add3A_291 : i32 to vector<16xi32>
        tpu.vector_store_idx %arg9[%broadcast_in_dim3A_292], %masked_cumsum3A_287 masked %eq3A_6 : memref<1024xf32, #tpu.memory_space<vmem>>[vector<16xi32>], vector<16xf32>, vector<16xi1>
        %broadcast_in_dim3A_293 = arith.constant true
        %broadcast_in_dim3A_294 = vector.broadcast %broadcast_in_dim3A_293 : i1 to vector<16xi1>
        %masked_cumsum3A_295 = tpu.scan <sum>, %scan3A_135#17 masked %broadcast_in_dim3A_294 : vector<16xf32>, vector<16xi1> -> vector<16xf32>
        %mul3A_296 = arith.constant 8 : i32
        %mul3A_297 = arith.muli %add3A_284, %mul3A_296 : i32
        %add3A_298 = arith.constant 1 : i32
        %add3A_299 = arith.addi %mul3A_297, %add3A_298 : i32
        %broadcast_in_dim3A_300 = vector.broadcast %add3A_299 : i32 to vector<16xi32>
        tpu.vector_store_idx %arg9[%broadcast_in_dim3A_300], %masked_cumsum3A_295 masked %eq3A_6 : memref<1024xf32, #tpu.memory_space<vmem>>[vector<16xi32>], vector<16xf32>, vector<16xi1>
        %broadcast_in_dim3A_301 = arith.constant true
        %broadcast_in_dim3A_302 = vector.broadcast %broadcast_in_dim3A_301 : i1 to vector<16xi1>
        %masked_cumsum3A_303 = tpu.scan <sum>, %scan3A_135#18 masked %broadcast_in_dim3A_302 : vector<16xf32>, vector<16xi1> -> vector<16xf32>
        %mul3A_304 = arith.constant 8 : i32
        %mul3A_305 = arith.muli %add3A_284, %mul3A_304 : i32
        %add3A_306 = arith.constant 2 : i32
        %add3A_307 = arith.addi %mul3A_305, %add3A_306 : i32
        %broadcast_in_dim3A_308 = vector.broadcast %add3A_307 : i32 to vector<16xi32>
        tpu.vector_store_idx %arg9[%broadcast_in_dim3A_308], %masked_cumsum3A_303 masked %eq3A_6 : memref<1024xf32, #tpu.memory_space<vmem>>[vector<16xi32>], vector<16xf32>, vector<16xi1>
        %broadcast_in_dim3A_309 = arith.constant true
        %broadcast_in_dim3A_310 = vector.broadcast %broadcast_in_dim3A_309 : i1 to vector<16xi1>
        %masked_cumsum3A_311 = tpu.scan <sum>, %scan3A_135#19 masked %broadcast_in_dim3A_310 : vector<16xf32>, vector<16xi1> -> vector<16xf32>
        %mul3A_312 = arith.constant 8 : i32
        %mul3A_313 = arith.muli %add3A_284, %mul3A_312 : i32
        %add3A_314 = arith.constant 3 : i32
        %add3A_315 = arith.addi %mul3A_313, %add3A_314 : i32
        %broadcast_in_dim3A_316 = vector.broadcast %add3A_315 : i32 to vector<16xi32>
        tpu.vector_store_idx %arg9[%broadcast_in_dim3A_316], %masked_cumsum3A_311 masked %eq3A_6 : memref<1024xf32, #tpu.memory_space<vmem>>[vector<16xi32>], vector<16xf32>, vector<16xi1>
        %broadcast_in_dim3A_317 = arith.constant true
        %broadcast_in_dim3A_318 = vector.broadcast %broadcast_in_dim3A_317 : i1 to vector<16xi1>
        %masked_cumsum3A_319 = tpu.scan <sum>, %scan3A_135#20 masked %broadcast_in_dim3A_318 : vector<16xf32>, vector<16xi1> -> vector<16xf32>
        %mul3A_320 = arith.constant 8 : i32
        %mul3A_321 = arith.muli %add3A_284, %mul3A_320 : i32
        %add3A_322 = arith.constant 4 : i32
        %add3A_323 = arith.addi %mul3A_321, %add3A_322 : i32
        %broadcast_in_dim3A_324 = vector.broadcast %add3A_323 : i32 to vector<16xi32>
        tpu.vector_store_idx %arg9[%broadcast_in_dim3A_324], %masked_cumsum3A_319 masked %eq3A_6 : memref<1024xf32, #tpu.memory_space<vmem>>[vector<16xi32>], vector<16xf32>, vector<16xi1>
        %broadcast_in_dim3A_325 = arith.constant true
        %broadcast_in_dim3A_326 = vector.broadcast %broadcast_in_dim3A_325 : i1 to vector<16xi1>
        %masked_cumsum3A_327 = tpu.scan <sum>, %scan3A_135#21 masked %broadcast_in_dim3A_326 : vector<16xf32>, vector<16xi1> -> vector<16xf32>
        %mul3A_328 = arith.constant 8 : i32
        %mul3A_329 = arith.muli %add3A_284, %mul3A_328 : i32
        %add3A_330 = arith.constant 5 : i32
        %add3A_331 = arith.addi %mul3A_329, %add3A_330 : i32
        %broadcast_in_dim3A_332 = vector.broadcast %add3A_331 : i32 to vector<16xi32>
        tpu.vector_store_idx %arg9[%broadcast_in_dim3A_332], %masked_cumsum3A_327 masked %eq3A_6 : memref<1024xf32, #tpu.memory_space<vmem>>[vector<16xi32>], vector<16xf32>, vector<16xi1>
        %broadcast_in_dim3A_333 = arith.constant true
        %broadcast_in_dim3A_334 = vector.broadcast %broadcast_in_dim3A_333 : i1 to vector<16xi1>
        %masked_cumsum3A_335 = tpu.scan <sum>, %scan3A_135#22 masked %broadcast_in_dim3A_334 : vector<16xf32>, vector<16xi1> -> vector<16xf32>
        %mul3A_336 = arith.constant 8 : i32
        %mul3A_337 = arith.muli %add3A_284, %mul3A_336 : i32
        %add3A_338 = arith.constant 6 : i32
        %add3A_339 = arith.addi %mul3A_337, %add3A_338 : i32
        %broadcast_in_dim3A_340 = vector.broadcast %add3A_339 : i32 to vector<16xi32>
        tpu.vector_store_idx %arg9[%broadcast_in_dim3A_340], %masked_cumsum3A_335 masked %eq3A_6 : memref<1024xf32, #tpu.memory_space<vmem>>[vector<16xi32>], vector<16xf32>, vector<16xi1>
        %broadcast_in_dim3A_341 = arith.constant true
        %broadcast_in_dim3A_342 = vector.broadcast %broadcast_in_dim3A_341 : i1 to vector<16xi1>
        %masked_cumsum3A_343 = tpu.scan <sum>, %scan3A_135#23 masked %broadcast_in_dim3A_342 : vector<16xf32>, vector<16xi1> -> vector<16xf32>
        %mul3A_344 = arith.constant 8 : i32
        %mul3A_345 = arith.muli %add3A_284, %mul3A_344 : i32
        %add3A_346 = arith.constant 7 : i32
        %add3A_347 = arith.addi %mul3A_345, %add3A_346 : i32
        %broadcast_in_dim3A_348 = vector.broadcast %add3A_347 : i32 to vector<16xi32>
        tpu.vector_store_idx %arg9[%broadcast_in_dim3A_348], %masked_cumsum3A_343 masked %eq3A_6 : memref<1024xf32, #tpu.memory_space<vmem>>[vector<16xi32>], vector<16xf32>, vector<16xi1>
        %mul3A_349 = arith.constant 16 : i32
        %mul3A_350 = arith.muli %mul3A_49, %mul3A_349 : i32
        %mul3A_351 = arith.constant 4 : i32
        %mul3A_352 = arith.muli %scan3A_128, %mul3A_351 : i32
        %add3A_353 = arith.addi %mul3A_350, %mul3A_352 : i32
        %add3A_354 = arith.constant 3 : i32
        %add3A_355 = arith.addi %add3A_353, %add3A_354 : i32
        %broadcast_in_dim3A_356 = arith.constant true
        %broadcast_in_dim3A_357 = vector.broadcast %broadcast_in_dim3A_356 : i1 to vector<16xi1>
        %masked_cumsum3A_358 = tpu.scan <sum>, %scan3A_135#24 masked %broadcast_in_dim3A_357 : vector<16xf32>, vector<16xi1> -> vector<16xf32>
        %mul3A_359 = arith.constant 8 : i32
        %mul3A_360 = arith.muli %add3A_355, %mul3A_359 : i32
        %add3A_361 = arith.constant 0 : i32
        %add3A_362 = arith.addi %mul3A_360, %add3A_361 : i32
        %broadcast_in_dim3A_363 = vector.broadcast %add3A_362 : i32 to vector<16xi32>
        tpu.vector_store_idx %arg9[%broadcast_in_dim3A_363], %masked_cumsum3A_358 masked %eq3A_6 : memref<1024xf32, #tpu.memory_space<vmem>>[vector<16xi32>], vector<16xf32>, vector<16xi1>
        %broadcast_in_dim3A_364 = arith.constant true
        %broadcast_in_dim3A_365 = vector.broadcast %broadcast_in_dim3A_364 : i1 to vector<16xi1>
        %masked_cumsum3A_366 = tpu.scan <sum>, %scan3A_135#25 masked %broadcast_in_dim3A_365 : vector<16xf32>, vector<16xi1> -> vector<16xf32>
        %mul3A_367 = arith.constant 8 : i32
        %mul3A_368 = arith.muli %add3A_355, %mul3A_367 : i32
        %add3A_369 = arith.constant 1 : i32
        %add3A_370 = arith.addi %mul3A_368, %add3A_369 : i32
        %broadcast_in_dim3A_371 = vector.broadcast %add3A_370 : i32 to vector<16xi32>
        tpu.vector_store_idx %arg9[%broadcast_in_dim3A_371], %masked_cumsum3A_366 masked %eq3A_6 : memref<1024xf32, #tpu.memory_space<vmem>>[vector<16xi32>], vector<16xf32>, vector<16xi1>
        %broadcast_in_dim3A_372 = arith.constant true
        %broadcast_in_dim3A_373 = vector.broadcast %broadcast_in_dim3A_372 : i1 to vector<16xi1>
        %masked_cumsum3A_374 = tpu.scan <sum>, %scan3A_135#26 masked %broadcast_in_dim3A_373 : vector<16xf32>, vector<16xi1> -> vector<16xf32>
        %mul3A_375 = arith.constant 8 : i32
        %mul3A_376 = arith.muli %add3A_355, %mul3A_375 : i32
        %add3A_377 = arith.constant 2 : i32
        %add3A_378 = arith.addi %mul3A_376, %add3A_377 : i32
        %broadcast_in_dim3A_379 = vector.broadcast %add3A_378 : i32 to vector<16xi32>
        tpu.vector_store_idx %arg9[%broadcast_in_dim3A_379], %masked_cumsum3A_374 masked %eq3A_6 : memref<1024xf32, #tpu.memory_space<vmem>>[vector<16xi32>], vector<16xf32>, vector<16xi1>
        %broadcast_in_dim3A_380 = arith.constant true
        %broadcast_in_dim3A_381 = vector.broadcast %broadcast_in_dim3A_380 : i1 to vector<16xi1>
        %masked_cumsum3A_382 = tpu.scan <sum>, %scan3A_135#27 masked %broadcast_in_dim3A_381 : vector<16xf32>, vector<16xi1> -> vector<16xf32>
        %mul3A_383 = arith.constant 8 : i32
        %mul3A_384 = arith.muli %add3A_355, %mul3A_383 : i32
        %add3A_385 = arith.constant 3 : i32
        %add3A_386 = arith.addi %mul3A_384, %add3A_385 : i32
        %broadcast_in_dim3A_387 = vector.broadcast %add3A_386 : i32 to vector<16xi32>
        tpu.vector_store_idx %arg9[%broadcast_in_dim3A_387], %masked_cumsum3A_382 masked %eq3A_6 : memref<1024xf32, #tpu.memory_space<vmem>>[vector<16xi32>], vector<16xf32>, vector<16xi1>
        %broadcast_in_dim3A_388 = arith.constant true
        %broadcast_in_dim3A_389 = vector.broadcast %broadcast_in_dim3A_388 : i1 to vector<16xi1>
        %masked_cumsum3A_390 = tpu.scan <sum>, %scan3A_135#28 masked %broadcast_in_dim3A_389 : vector<16xf32>, vector<16xi1> -> vector<16xf32>
        %mul3A_391 = arith.constant 8 : i32
        %mul3A_392 = arith.muli %add3A_355, %mul3A_391 : i32
        %add3A_393 = arith.constant 4 : i32
        %add3A_394 = arith.addi %mul3A_392, %add3A_393 : i32
        %broadcast_in_dim3A_395 = vector.broadcast %add3A_394 : i32 to vector<16xi32>
        tpu.vector_store_idx %arg9[%broadcast_in_dim3A_395], %masked_cumsum3A_390 masked %eq3A_6 : memref<1024xf32, #tpu.memory_space<vmem>>[vector<16xi32>], vector<16xf32>, vector<16xi1>
        %broadcast_in_dim3A_396 = arith.constant true
        %broadcast_in_dim3A_397 = vector.broadcast %broadcast_in_dim3A_396 : i1 to vector<16xi1>
        %masked_cumsum3A_398 = tpu.scan <sum>, %scan3A_135#29 masked %broadcast_in_dim3A_397 : vector<16xf32>, vector<16xi1> -> vector<16xf32>
        %mul3A_399 = arith.constant 8 : i32
        %mul3A_400 = arith.muli %add3A_355, %mul3A_399 : i32
        %add3A_401 = arith.constant 5 : i32
        %add3A_402 = arith.addi %mul3A_400, %add3A_401 : i32
        %broadcast_in_dim3A_403 = vector.broadcast %add3A_402 : i32 to vector<16xi32>
        tpu.vector_store_idx %arg9[%broadcast_in_dim3A_403], %masked_cumsum3A_398 masked %eq3A_6 : memref<1024xf32, #tpu.memory_space<vmem>>[vector<16xi32>], vector<16xf32>, vector<16xi1>
        %broadcast_in_dim3A_404 = arith.constant true
        %broadcast_in_dim3A_405 = vector.broadcast %broadcast_in_dim3A_404 : i1 to vector<16xi1>
        %masked_cumsum3A_406 = tpu.scan <sum>, %scan3A_135#30 masked %broadcast_in_dim3A_405 : vector<16xf32>, vector<16xi1> -> vector<16xf32>
        %mul3A_407 = arith.constant 8 : i32
        %mul3A_408 = arith.muli %add3A_355, %mul3A_407 : i32
        %add3A_409 = arith.constant 6 : i32
        %add3A_410 = arith.addi %mul3A_408, %add3A_409 : i32
        %broadcast_in_dim3A_411 = vector.broadcast %add3A_410 : i32 to vector<16xi32>
        tpu.vector_store_idx %arg9[%broadcast_in_dim3A_411], %masked_cumsum3A_406 masked %eq3A_6 : memref<1024xf32, #tpu.memory_space<vmem>>[vector<16xi32>], vector<16xf32>, vector<16xi1>
        %broadcast_in_dim3A_412 = arith.constant true
        %broadcast_in_dim3A_413 = vector.broadcast %broadcast_in_dim3A_412 : i1 to vector<16xi1>
        %masked_cumsum3A_414 = tpu.scan <sum>, %scan3A_135#31 masked %broadcast_in_dim3A_413 : vector<16xf32>, vector<16xi1> -> vector<16xf32>
        %mul3A_415 = arith.constant 8 : i32
        %mul3A_416 = arith.muli %add3A_355, %mul3A_415 : i32
        %add3A_417 = arith.constant 7 : i32
        %add3A_418 = arith.addi %mul3A_416, %add3A_417 : i32
        %broadcast_in_dim3A_419 = vector.broadcast %add3A_418 : i32 to vector<16xi32>
        tpu.vector_store_idx %arg9[%broadcast_in_dim3A_419], %masked_cumsum3A_414 masked %eq3A_6 : memref<1024xf32, #tpu.memory_space<vmem>>[vector<16xi32>], vector<16xf32>, vector<16xi1>
      }
      %scan3A_94 = arith.constant 4 : i32
      %add3A_95 = arith.constant 2 : i32
      %add3A_96 = arith.addi %mul3A_49, %add3A_95 : i32
      %lt3A = arith.constant 8 : i32
      %lt3A_97 = arith.cmpi slt, %add3A_96, %lt3A : i32
      %convert_element_type3A = arith.extui %lt3A_97 : i1 to i32
      %cond3A = arith.constant 0 : i32
      %cond3A_98 = arith.cmpi ne, %convert_element_type3A, %cond3A : i32
      scf.if %cond3A_98 {
        %add3A_128 = arith.constant 2 : i32
        %add3A_129 = arith.addi %mul3A_49, %add3A_128 : i32
        %mul3A_130 = arith.constant 16 : i32
        %mul3A_131 = arith.muli %add3A_129, %mul3A_130 : i32
        %add3A_132 = arith.addi %add3A_4, %mul3A_131 : i32
        %dma_start3A_133 = arith.constant 3 : i32
        %dma_start3A_134 = arith.constant 0 : i32
        %dma_start3A_135 = arith.constant 0 : i32
        %dma_start3A_136 = arith.constant 0 : i32
        %dma_start3A_137 = tpu.memref_slice %arg8[%dma_start3A_134, %dma_start3A_135, %dma_start3A_136] : memref<2x16x2048xf32, #tpu.memory_space<vmem>> -> memref<1x16x2048xf32, #tpu.memory_space<vmem>>
        %dma_start3A_138 = tpu.memref_squeeze %dma_start3A_137 : memref<1x16x2048xf32, #tpu.memory_space<vmem>> -> memref<16x2048xf32, #tpu.memory_space<vmem>>
        %dma_start3A_139 = arith.constant 0 : i32
        %dma_start3A_140 = tpu.memref_slice %arg2[%dma_start3A_133, %add3A_132, %dma_start3A_139] : memref<4x8192x2048xf32, #tpu.memory_space<hbm>> -> memref<1x16x2048xf32, #tpu.memory_space<hbm>>
        %dma_start3A_141 = tpu.memref_squeeze %dma_start3A_140 : memref<1x16x2048xf32, #tpu.memory_space<hbm>> -> memref<16x2048xf32, #tpu.memory_space<hbm>>
        %dma_start3A_142 = arith.constant 0 : i32
        %dma_start3A_143 = arith.constant 0 : i32
        %dma_start3A_144 = tpu.memref_slice %arg8[%dma_start3A_134, %dma_start3A_142, %dma_start3A_143] : memref<2x16x2048xf32, #tpu.memory_space<vmem>> -> memref<1x16x2048xf32, #tpu.memory_space<vmem>>
        %dma_start3A_145 = tpu.memref_squeeze %dma_start3A_144 : memref<1x16x2048xf32, #tpu.memory_space<vmem>> -> memref<16x2048xf32, #tpu.memory_space<vmem>>
        %dma_start3A_146 = arith.constant 0 : i32
        %dma_start3A_147 = tpu.memref_slice %arg2[%dma_start3A_133, %add3A_132, %dma_start3A_146] : memref<4x8192x2048xf32, #tpu.memory_space<hbm>> -> memref<1x16x2048xf32, #tpu.memory_space<hbm>>
        %dma_start3A_148 = tpu.memref_squeeze %dma_start3A_147 : memref<1x16x2048xf32, #tpu.memory_space<hbm>> -> memref<16x2048xf32, #tpu.memory_space<hbm>>
        tpu.enqueue_dma source(%dma_start3A_148 : memref<16x2048xf32, #tpu.memory_space<hbm>>) target(%dma_start3A_145 : memref<16x2048xf32, #tpu.memory_space<vmem>>) target_semaphore(%arg12 : memref<!tpu.dma_semaphore, #tpu.memory_space<semaphore_mem>>)
      } else {
      }
      %add3A_99 = arith.constant 1 : i32
      %add3A_100 = arith.addi %mul3A_49, %add3A_99 : i32
      %mul3A_101 = arith.constant 16 : i32
      %mul3A_102 = arith.muli %add3A_100, %mul3A_101 : i32
      %add3A_103 = arith.addi %add3A_4, %mul3A_102 : i32
      %dma_wait3A_104 = arith.constant 3 : i32
      %dma_wait3A_105 = arith.constant 1 : i32
      %dma_wait3A_106 = arith.constant 0 : i32
      %dma_wait3A_107 = arith.constant 0 : i32
      %dma_wait3A_108 = tpu.memref_slice %arg8[%dma_wait3A_105, %dma_wait3A_106, %dma_wait3A_107] : memref<2x16x2048xf32, #tpu.memory_space<vmem>> -> memref<1x16x2048xf32, #tpu.memory_space<vmem>>
      %dma_wait3A_109 = tpu.memref_squeeze %dma_wait3A_108 : memref<1x16x2048xf32, #tpu.memory_space<vmem>> -> memref<16x2048xf32, #tpu.memory_space<vmem>>
      %dma_wait3A_110 = arith.constant 0 : i32
      %dma_wait3A_111 = tpu.memref_slice %arg2[%dma_wait3A_104, %add3A_103, %dma_wait3A_110] : memref<4x8192x2048xf32, #tpu.memory_space<hbm>> -> memref<1x16x2048xf32, #tpu.memory_space<hbm>>
      %dma_wait3A_112 = tpu.memref_squeeze %dma_wait3A_111 : memref<1x16x2048xf32, #tpu.memory_space<hbm>> -> memref<16x2048xf32, #tpu.memory_space<hbm>>
      %dma_wait3A_113 = arith.constant 0 : i32
      %dma_wait3A_114 = arith.constant 0 : i32
      %dma_wait3A_115 = tpu.memref_slice %arg8[%dma_wait3A_105, %dma_wait3A_113, %dma_wait3A_114] : memref<2x16x2048xf32, #tpu.memory_space<vmem>> -> memref<1x16x2048xf32, #tpu.memory_space<vmem>>
      %dma_wait3A_116 = tpu.memref_squeeze %dma_wait3A_115 : memref<1x16x2048xf32, #tpu.memory_space<vmem>> -> memref<16x2048xf32, #tpu.memory_space<vmem>>
      %dma_wait3A_117 = arith.constant 0 : i32
      %dma_wait3A_118 = tpu.memref_slice %arg2[%dma_wait3A_104, %add3A_103, %dma_wait3A_117] : memref<4x8192x2048xf32, #tpu.memory_space<hbm>> -> memref<1x16x2048xf32, #tpu.memory_space<hbm>>
      %dma_wait3A_119 = tpu.memref_squeeze %dma_wait3A_118 : memref<1x16x2048xf32, #tpu.memory_space<hbm>> -> memref<16x2048xf32, #tpu.memory_space<hbm>>
      tpu.wait_dma2 semaphore(%arg13 : memref<!tpu.dma_semaphore, #tpu.memory_space<semaphore_mem>>) src(%dma_wait3A_119 : memref<16x2048xf32, #tpu.memory_space<hbm>>) dst(%dma_wait3A_116 : memref<16x2048xf32, #tpu.memory_space<vmem>>)
      %add3A_120 = arith.constant 1 : i32
      %add3A_121 = arith.addi %mul3A_49, %add3A_120 : i32
      %scan3A_122 = arith.constant 0 : i32
      %scan3A_123 = arith.constant 0 : i32
      %scan3A_124 = arith.constant 4 : i32
      %scan3A_125 = arith.addi %scan3A_123, %scan3A_124 : i32
      %scan3A_126 = arith.constant 1 : i32
      scf.for %scan3A_128 = %scan3A_123 to %scan3A_125 step %scan3A_126  : i32 {
        %broadcast_in_dim3A_129 = arith.constant 0.000000e+00 : f32
        %broadcast_in_dim3A_130 = vector.broadcast %broadcast_in_dim3A_129 : f32 to vector<16xf32>
        %scan3A_131 = arith.constant 0 : i32
        %scan3A_132 = arith.constant 128 : i32
        %scan3A_133 = arith.addi %scan3A_131, %scan3A_132 : i32
        %scan3A_134 = arith.constant 1 : i32
        %scan3A_135:32 = scf.for %scan3A_420 = %scan3A_131 to %scan3A_133 step %scan3A_134 iter_args(%scan3A_421 = %broadcast_in_dim3A_130, %scan3A_422 = %broadcast_in_dim3A_130, %scan3A_423 = %broadcast_in_dim3A_130, %scan3A_424 = %broadcast_in_dim3A_130, %scan3A_425 = %broadcast_in_dim3A_130, %scan3A_426 = %broadcast_in_dim3A_130, %scan3A_427 = %broadcast_in_dim3A_130, %scan3A_428 = %broadcast_in_dim3A_130, %scan3A_429 = %broadcast_in_dim3A_130, %scan3A_430 = %broadcast_in_dim3A_130, %scan3A_431 = %broadcast_in_dim3A_130, %scan3A_432 = %broadcast_in_dim3A_130, %scan3A_433 = %broadcast_in_dim3A_130, %scan3A_434 = %broadcast_in_dim3A_130, %scan3A_435 = %broadcast_in_dim3A_130, %scan3A_436 = %broadcast_in_dim3A_130, %scan3A_437 = %broadcast_in_dim3A_130, %scan3A_438 = %broadcast_in_dim3A_130, %scan3A_439 = %broadcast_in_dim3A_130, %scan3A_440 = %broadcast_in_dim3A_130, %scan3A_441 = %broadcast_in_dim3A_130, %scan3A_442 = %broadcast_in_dim3A_130, %scan3A_443 = %broadcast_in_dim3A_130, %scan3A_444 = %broadcast_in_dim3A_130, %scan3A_445 = %broadcast_in_dim3A_130, %scan3A_446 = %broadcast_in_dim3A_130, %scan3A_447 = %broadcast_in_dim3A_130, %scan3A_448 = %broadcast_in_dim3A_130, %scan3A_449 = %broadcast_in_dim3A_130, %scan3A_450 = %broadcast_in_dim3A_130, %scan3A_451 = %broadcast_in_dim3A_130, %scan3A_452 = %broadcast_in_dim3A_130) -> (vector<16xf32>, vector<16xf32>, vector<16xf32>, vector<16xf32>, vector<16xf32>, vector<16xf32>, vector<16xf32>, vector<16xf32>, vector<16xf32>, vector<16xf32>, vector<16xf32>, vector<16xf32>, vector<16xf32>, vector<16xf32>, vector<16xf32>, vector<16xf32>, vector<16xf32>, vector<16xf32>, vector<16xf32>, vector<16xf32>, vector<16xf32>, vector<16xf32>, vector<16xf32>, vector<16xf32>, vector<16xf32>, vector<16xf32>, vector<16xf32>, vector<16xf32>, vector<16xf32>, vector<16xf32>, vector<16xf32>, vector<16xf32>)  : i32 {
          %mul3A_453 = arith.constant 16 : i32
          %mul3A_454 = arith.muli %scan3A_420, %mul3A_453 : i32
          %get3A = arith.constant 0 : i32
          %get3A_455 = arith.index_cast %get3A : i32 to index
          %get3A_456 = arith.index_cast %mul3A_454 : i32 to index
          %get3A_457 = tpu.vector_load %arg7[%get3A_455, %get3A_456] {strides = array<i32>} : memref<8x2048xf32, #tpu.memory_space<vmem>>, vector<16xf32>,
          %get3A_458 = arith.constant 1 : i32
          %get3A_459 = arith.index_cast %get3A_458 : i32 to index
          %get3A_460 = arith.index_cast %mul3A_454 : i32 to index
          %get3A_461 = tpu.vector_load %arg7[%get3A_459, %get3A_460] {strides = array<i32>} : memref<8x2048xf32, #tpu.memory_space<vmem>>, vector<16xf32>,
          %get3A_462 = arith.constant 2 : i32
          %get3A_463 = arith.index_cast %get3A_462 : i32 to index
          %get3A_464 = arith.index_cast %mul3A_454 : i32 to index
          %get3A_465 = tpu.vector_load %arg7[%get3A_463, %get3A_464] {strides = array<i32>} : memref<8x2048xf32, #tpu.memory_space<vmem>>, vector<16xf32>,
          %get3A_466 = arith.constant 3 : i32
          %get3A_467 = arith.index_cast %get3A_466 : i32 to index
          %get3A_468 = arith.index_cast %mul3A_454 : i32 to index
          %get3A_469 = tpu.vector_load %arg7[%get3A_467, %get3A_468] {strides = array<i32>} : memref<8x2048xf32, #tpu.memory_space<vmem>>, vector<16xf32>,
          %get3A_470 = arith.constant 4 : i32
          %get3A_471 = arith.index_cast %get3A_470 : i32 to index
          %get3A_472 = arith.index_cast %mul3A_454 : i32 to index
          %get3A_473 = tpu.vector_load %arg7[%get3A_471, %get3A_472] {strides = array<i32>} : memref<8x2048xf32, #tpu.memory_space<vmem>>, vector<16xf32>,
          %get3A_474 = arith.constant 5 : i32
          %get3A_475 = arith.index_cast %get3A_474 : i32 to index
          %get3A_476 = arith.index_cast %mul3A_454 : i32 to index
          %get3A_477 = tpu.vector_load %arg7[%get3A_475, %get3A_476] {strides = array<i32>} : memref<8x2048xf32, #tpu.memory_space<vmem>>, vector<16xf32>,
          %get3A_478 = arith.constant 6 : i32
          %get3A_479 = arith.index_cast %get3A_478 : i32 to index
          %get3A_480 = arith.index_cast %mul3A_454 : i32 to index
          %get3A_481 = tpu.vector_load %arg7[%get3A_479, %get3A_480] {strides = array<i32>} : memref<8x2048xf32, #tpu.memory_space<vmem>>, vector<16xf32>,
          %get3A_482 = arith.constant 7 : i32
          %get3A_483 = arith.index_cast %get3A_482 : i32 to index
          %get3A_484 = arith.index_cast %mul3A_454 : i32 to index
          %get3A_485 = tpu.vector_load %arg7[%get3A_483, %get3A_484] {strides = array<i32>} : memref<8x2048xf32, #tpu.memory_space<vmem>>, vector<16xf32>,
          %mul3A_486 = arith.constant 4 : i32
          %mul3A_487 = arith.muli %scan3A_128, %mul3A_486 : i32
          %add3A_488 = arith.constant 0 : i32
          %add3A_489 = arith.addi %mul3A_487, %add3A_488 : i32
          %get3A_490 = arith.constant 1 : i32
          %get3A_491 = arith.index_cast %get3A_490 : i32 to index
          %get3A_492 = arith.index_cast %add3A_489 : i32 to index
          %get3A_493 = arith.index_cast %mul3A_454 : i32 to index
          %get3A_494 = tpu.vector_load %arg8[%get3A_491, %get3A_492, %get3A_493] {strides = array<i32>} : memref<2x16x2048xf32, #tpu.memory_space<vmem>>, vector<16xf32>,
          %bitcast_convert_type3A = tpu.bitcast %get3A_494 : vector<16xf32> -> vector<16xi32>
          %add3A_495 = arith.constant 32768 : i32
          %add3A_496 = vector.broadcast %add3A_495 : i32 to vector<16xi32>
          %add3A_497 = arith.addi %bitcast_convert_type3A, %add3A_496 : vector<16xi32>
          %and3A = arith.constant -65536 : i32
          %and3A_498 = vector.broadcast %and3A : i32 to vector<16xi32>
          %and3A_499 = arith.andi %add3A_497, %and3A_498 : vector<16xi32>
          %bitcast_convert_type3A_500 = tpu.bitcast %and3A_499 : vector<16xi32> -> vector<16xf32>
          %mul3A_501 = arith.mulf %bitcast_convert_type3A_500, %get3A_457 : vector<16xf32>
          %add3A_502 = arith.addf %scan3A_421, %mul3A_501 : vector<16xf32>
          %mul3A_503 = arith.mulf %bitcast_convert_type3A_500, %get3A_461 : vector<16xf32>
          %add3A_504 = arith.addf %scan3A_422, %mul3A_503 : vector<16xf32>
          %mul3A_505 = arith.mulf %bitcast_convert_type3A_500, %get3A_465 : vector<16xf32>
          %add3A_506 = arith.addf %scan3A_423, %mul3A_505 : vector<16xf32>
          %mul3A_507 = arith.mulf %bitcast_convert_type3A_500, %get3A_469 : vector<16xf32>
          %add3A_508 = arith.addf %scan3A_424, %mul3A_507 : vector<16xf32>
          %mul3A_509 = arith.mulf %bitcast_convert_type3A_500, %get3A_473 : vector<16xf32>
          %add3A_510 = arith.addf %scan3A_425, %mul3A_509 : vector<16xf32>
          %mul3A_511 = arith.mulf %bitcast_convert_type3A_500, %get3A_477 : vector<16xf32>
          %add3A_512 = arith.addf %scan3A_426, %mul3A_511 : vector<16xf32>
          %mul3A_513 = arith.mulf %bitcast_convert_type3A_500, %get3A_481 : vector<16xf32>
          %add3A_514 = arith.addf %scan3A_427, %mul3A_513 : vector<16xf32>
          %mul3A_515 = arith.mulf %bitcast_convert_type3A_500, %get3A_485 : vector<16xf32>
          %add3A_516 = arith.addf %scan3A_428, %mul3A_515 : vector<16xf32>
          %mul3A_517 = arith.constant 4 : i32
          %mul3A_518 = arith.muli %scan3A_128, %mul3A_517 : i32
          %add3A_519 = arith.constant 1 : i32
          %add3A_520 = arith.addi %mul3A_518, %add3A_519 : i32
          %get3A_521 = arith.constant 1 : i32
          %get3A_522 = arith.index_cast %get3A_521 : i32 to index
          %get3A_523 = arith.index_cast %add3A_520 : i32 to index
          %get3A_524 = arith.index_cast %mul3A_454 : i32 to index
          %get3A_525 = tpu.vector_load %arg8[%get3A_522, %get3A_523, %get3A_524] {strides = array<i32>} : memref<2x16x2048xf32, #tpu.memory_space<vmem>>, vector<16xf32>,
          %bitcast_convert_type3A_526 = tpu.bitcast %get3A_525 : vector<16xf32> -> vector<16xi32>
          %add3A_527 = arith.constant 32768 : i32
          %add3A_528 = vector.broadcast %add3A_527 : i32 to vector<16xi32>
          %add3A_529 = arith.addi %bitcast_convert_type3A_526, %add3A_528 : vector<16xi32>
          %and3A_530 = arith.constant -65536 : i32
          %and3A_531 = vector.broadcast %and3A_530 : i32 to vector<16xi32>
          %and3A_532 = arith.andi %add3A_529, %and3A_531 : vector<16xi32>
          %bitcast_convert_type3A_533 = tpu.bitcast %and3A_532 : vector<16xi32> -> vector<16xf32>
          %mul3A_534 = arith.mulf %bitcast_convert_type3A_533, %get3A_457 : vector<16xf32>
          %add3A_535 = arith.addf %scan3A_429, %mul3A_534 : vector<16xf32>
          %mul3A_536 = arith.mulf %bitcast_convert_type3A_533, %get3A_461 : vector<16xf32>
          %add3A_537 = arith.addf %scan3A_430, %mul3A_536 : vector<16xf32>
          %mul3A_538 = arith.mulf %bitcast_convert_type3A_533, %get3A_465 : vector<16xf32>
          %add3A_539 = arith.addf %scan3A_431, %mul3A_538 : vector<16xf32>
          %mul3A_540 = arith.mulf %bitcast_convert_type3A_533, %get3A_469 : vector<16xf32>
          %add3A_541 = arith.addf %scan3A_432, %mul3A_540 : vector<16xf32>
          %mul3A_542 = arith.mulf %bitcast_convert_type3A_533, %get3A_473 : vector<16xf32>
          %add3A_543 = arith.addf %scan3A_433, %mul3A_542 : vector<16xf32>
          %mul3A_544 = arith.mulf %bitcast_convert_type3A_533, %get3A_477 : vector<16xf32>
          %add3A_545 = arith.addf %scan3A_434, %mul3A_544 : vector<16xf32>
          %mul3A_546 = arith.mulf %bitcast_convert_type3A_533, %get3A_481 : vector<16xf32>
          %add3A_547 = arith.addf %scan3A_435, %mul3A_546 : vector<16xf32>
          %mul3A_548 = arith.mulf %bitcast_convert_type3A_533, %get3A_485 : vector<16xf32>
          %add3A_549 = arith.addf %scan3A_436, %mul3A_548 : vector<16xf32>
          %mul3A_550 = arith.constant 4 : i32
          %mul3A_551 = arith.muli %scan3A_128, %mul3A_550 : i32
          %add3A_552 = arith.constant 2 : i32
          %add3A_553 = arith.addi %mul3A_551, %add3A_552 : i32
          %get3A_554 = arith.constant 1 : i32
          %get3A_555 = arith.index_cast %get3A_554 : i32 to index
          %get3A_556 = arith.index_cast %add3A_553 : i32 to index
          %get3A_557 = arith.index_cast %mul3A_454 : i32 to index
          %get3A_558 = tpu.vector_load %arg8[%get3A_555, %get3A_556, %get3A_557] {strides = array<i32>} : memref<2x16x2048xf32, #tpu.memory_space<vmem>>, vector<16xf32>,
          %bitcast_convert_type3A_559 = tpu.bitcast %get3A_558 : vector<16xf32> -> vector<16xi32>
          %add3A_560 = arith.constant 32768 : i32
          %add3A_561 = vector.broadcast %add3A_560 : i32 to vector<16xi32>
          %add3A_562 = arith.addi %bitcast_convert_type3A_559, %add3A_561 : vector<16xi32>
          %and3A_563 = arith.constant -65536 : i32
          %and3A_564 = vector.broadcast %and3A_563 : i32 to vector<16xi32>
          %and3A_565 = arith.andi %add3A_562, %and3A_564 : vector<16xi32>
          %bitcast_convert_type3A_566 = tpu.bitcast %and3A_565 : vector<16xi32> -> vector<16xf32>
          %mul3A_567 = arith.mulf %bitcast_convert_type3A_566, %get3A_457 : vector<16xf32>
          %add3A_568 = arith.addf %scan3A_437, %mul3A_567 : vector<16xf32>
          %mul3A_569 = arith.mulf %bitcast_convert_type3A_566, %get3A_461 : vector<16xf32>
          %add3A_570 = arith.addf %scan3A_438, %mul3A_569 : vector<16xf32>
          %mul3A_571 = arith.mulf %bitcast_convert_type3A_566, %get3A_465 : vector<16xf32>
          %add3A_572 = arith.addf %scan3A_439, %mul3A_571 : vector<16xf32>
          %mul3A_573 = arith.mulf %bitcast_convert_type3A_566, %get3A_469 : vector<16xf32>
          %add3A_574 = arith.addf %scan3A_440, %mul3A_573 : vector<16xf32>
          %mul3A_575 = arith.mulf %bitcast_convert_type3A_566, %get3A_473 : vector<16xf32>
          %add3A_576 = arith.addf %scan3A_441, %mul3A_575 : vector<16xf32>
          %mul3A_577 = arith.mulf %bitcast_convert_type3A_566, %get3A_477 : vector<16xf32>
          %add3A_578 = arith.addf %scan3A_442, %mul3A_577 : vector<16xf32>
          %mul3A_579 = arith.mulf %bitcast_convert_type3A_566, %get3A_481 : vector<16xf32>
          %add3A_580 = arith.addf %scan3A_443, %mul3A_579 : vector<16xf32>
          %mul3A_581 = arith.mulf %bitcast_convert_type3A_566, %get3A_485 : vector<16xf32>
          %add3A_582 = arith.addf %scan3A_444, %mul3A_581 : vector<16xf32>
          %mul3A_583 = arith.constant 4 : i32
          %mul3A_584 = arith.muli %scan3A_128, %mul3A_583 : i32
          %add3A_585 = arith.constant 3 : i32
          %add3A_586 = arith.addi %mul3A_584, %add3A_585 : i32
          %get3A_587 = arith.constant 1 : i32
          %get3A_588 = arith.index_cast %get3A_587 : i32 to index
          %get3A_589 = arith.index_cast %add3A_586 : i32 to index
          %get3A_590 = arith.index_cast %mul3A_454 : i32 to index
          %get3A_591 = tpu.vector_load %arg8[%get3A_588, %get3A_589, %get3A_590] {strides = array<i32>} : memref<2x16x2048xf32, #tpu.memory_space<vmem>>, vector<16xf32>,
          %bitcast_convert_type3A_592 = tpu.bitcast %get3A_591 : vector<16xf32> -> vector<16xi32>
          %add3A_593 = arith.constant 32768 : i32
          %add3A_594 = vector.broadcast %add3A_593 : i32 to vector<16xi32>
          %add3A_595 = arith.addi %bitcast_convert_type3A_592, %add3A_594 : vector<16xi32>
          %and3A_596 = arith.constant -65536 : i32
          %and3A_597 = vector.broadcast %and3A_596 : i32 to vector<16xi32>
          %and3A_598 = arith.andi %add3A_595, %and3A_597 : vector<16xi32>
          %bitcast_convert_type3A_599 = tpu.bitcast %and3A_598 : vector<16xi32> -> vector<16xf32>
          %mul3A_600 = arith.mulf %bitcast_convert_type3A_599, %get3A_457 : vector<16xf32>
          %add3A_601 = arith.addf %scan3A_445, %mul3A_600 : vector<16xf32>
          %mul3A_602 = arith.mulf %bitcast_convert_type3A_599, %get3A_461 : vector<16xf32>
          %add3A_603 = arith.addf %scan3A_446, %mul3A_602 : vector<16xf32>
          %mul3A_604 = arith.mulf %bitcast_convert_type3A_599, %get3A_465 : vector<16xf32>
          %add3A_605 = arith.addf %scan3A_447, %mul3A_604 : vector<16xf32>
          %mul3A_606 = arith.mulf %bitcast_convert_type3A_599, %get3A_469 : vector<16xf32>
          %add3A_607 = arith.addf %scan3A_448, %mul3A_606 : vector<16xf32>
          %mul3A_608 = arith.mulf %bitcast_convert_type3A_599, %get3A_473 : vector<16xf32>
          %add3A_609 = arith.addf %scan3A_449, %mul3A_608 : vector<16xf32>
          %mul3A_610 = arith.mulf %bitcast_convert_type3A_599, %get3A_477 : vector<16xf32>
          %add3A_611 = arith.addf %scan3A_450, %mul3A_610 : vector<16xf32>
          %mul3A_612 = arith.mulf %bitcast_convert_type3A_599, %get3A_481 : vector<16xf32>
          %add3A_613 = arith.addf %scan3A_451, %mul3A_612 : vector<16xf32>
          %mul3A_614 = arith.mulf %bitcast_convert_type3A_599, %get3A_485 : vector<16xf32>
          %add3A_615 = arith.addf %scan3A_452, %mul3A_614 : vector<16xf32>
          scf.yield %add3A_502, %add3A_504, %add3A_506, %add3A_508, %add3A_510, %add3A_512, %add3A_514, %add3A_516, %add3A_535, %add3A_537, %add3A_539, %add3A_541, %add3A_543, %add3A_545, %add3A_547, %add3A_549, %add3A_568, %add3A_570, %add3A_572, %add3A_574, %add3A_576, %add3A_578, %add3A_580, %add3A_582, %add3A_601, %add3A_603, %add3A_605, %add3A_607, %add3A_609, %add3A_611, %add3A_613, %add3A_615 : vector<16xf32>, vector<16xf32>, vector<16xf32>, vector<16xf32>, vector<16xf32>, vector<16xf32>, vector<16xf32>, vector<16xf32>, vector<16xf32>, vector<16xf32>, vector<16xf32>, vector<16xf32>, vector<16xf32>, vector<16xf32>, vector<16xf32>, vector<16xf32>, vector<16xf32>, vector<16xf32>, vector<16xf32>, vector<16xf32>, vector<16xf32>, vector<16xf32>, vector<16xf32>, vector<16xf32>, vector<16xf32>, vector<16xf32>, vector<16xf32>, vector<16xf32>, vector<16xf32>, vector<16xf32>, vector<16xf32>, vector<16xf32>
        }
        %scan3A_136 = arith.constant 128 : i32
        %mul3A_137 = arith.constant 16 : i32
        %mul3A_138 = arith.muli %add3A_121, %mul3A_137 : i32
        %mul3A_139 = arith.constant 4 : i32
        %mul3A_140 = arith.muli %scan3A_128, %mul3A_139 : i32
        %add3A_141 = arith.addi %mul3A_138, %mul3A_140 : i32
        %add3A_142 = arith.constant 0 : i32
        %add3A_143 = arith.addi %add3A_141, %add3A_142 : i32
        %broadcast_in_dim3A_144 = arith.constant true
        %broadcast_in_dim3A_145 = vector.broadcast %broadcast_in_dim3A_144 : i1 to vector<16xi1>
        %masked_cumsum3A = tpu.scan <sum>, %scan3A_135#0 masked %broadcast_in_dim3A_145 : vector<16xf32>, vector<16xi1> -> vector<16xf32>
        %mul3A_146 = arith.constant 8 : i32
        %mul3A_147 = arith.muli %add3A_143, %mul3A_146 : i32
        %add3A_148 = arith.constant 0 : i32
        %add3A_149 = arith.addi %mul3A_147, %add3A_148 : i32
        %broadcast_in_dim3A_150 = vector.broadcast %add3A_149 : i32 to vector<16xi32>
        tpu.vector_store_idx %arg9[%broadcast_in_dim3A_150], %masked_cumsum3A masked %eq3A_6 : memref<1024xf32, #tpu.memory_space<vmem>>[vector<16xi32>], vector<16xf32>, vector<16xi1>
        %broadcast_in_dim3A_151 = arith.constant true
        %broadcast_in_dim3A_152 = vector.broadcast %broadcast_in_dim3A_151 : i1 to vector<16xi1>
        %masked_cumsum3A_153 = tpu.scan <sum>, %scan3A_135#1 masked %broadcast_in_dim3A_152 : vector<16xf32>, vector<16xi1> -> vector<16xf32>
        %mul3A_154 = arith.constant 8 : i32
        %mul3A_155 = arith.muli %add3A_143, %mul3A_154 : i32
        %add3A_156 = arith.constant 1 : i32
        %add3A_157 = arith.addi %mul3A_155, %add3A_156 : i32
        %broadcast_in_dim3A_158 = vector.broadcast %add3A_157 : i32 to vector<16xi32>
        tpu.vector_store_idx %arg9[%broadcast_in_dim3A_158], %masked_cumsum3A_153 masked %eq3A_6 : memref<1024xf32, #tpu.memory_space<vmem>>[vector<16xi32>], vector<16xf32>, vector<16xi1>
        %broadcast_in_dim3A_159 = arith.constant true
        %broadcast_in_dim3A_160 = vector.broadcast %broadcast_in_dim3A_159 : i1 to vector<16xi1>
        %masked_cumsum3A_161 = tpu.scan <sum>, %scan3A_135#2 masked %broadcast_in_dim3A_160 : vector<16xf32>, vector<16xi1> -> vector<16xf32>
        %mul3A_162 = arith.constant 8 : i32
        %mul3A_163 = arith.muli %add3A_143, %mul3A_162 : i32
        %add3A_164 = arith.constant 2 : i32
        %add3A_165 = arith.addi %mul3A_163, %add3A_164 : i32
        %broadcast_in_dim3A_166 = vector.broadcast %add3A_165 : i32 to vector<16xi32>
        tpu.vector_store_idx %arg9[%broadcast_in_dim3A_166], %masked_cumsum3A_161 masked %eq3A_6 : memref<1024xf32, #tpu.memory_space<vmem>>[vector<16xi32>], vector<16xf32>, vector<16xi1>
        %broadcast_in_dim3A_167 = arith.constant true
        %broadcast_in_dim3A_168 = vector.broadcast %broadcast_in_dim3A_167 : i1 to vector<16xi1>
        %masked_cumsum3A_169 = tpu.scan <sum>, %scan3A_135#3 masked %broadcast_in_dim3A_168 : vector<16xf32>, vector<16xi1> -> vector<16xf32>
        %mul3A_170 = arith.constant 8 : i32
        %mul3A_171 = arith.muli %add3A_143, %mul3A_170 : i32
        %add3A_172 = arith.constant 3 : i32
        %add3A_173 = arith.addi %mul3A_171, %add3A_172 : i32
        %broadcast_in_dim3A_174 = vector.broadcast %add3A_173 : i32 to vector<16xi32>
        tpu.vector_store_idx %arg9[%broadcast_in_dim3A_174], %masked_cumsum3A_169 masked %eq3A_6 : memref<1024xf32, #tpu.memory_space<vmem>>[vector<16xi32>], vector<16xf32>, vector<16xi1>
        %broadcast_in_dim3A_175 = arith.constant true
        %broadcast_in_dim3A_176 = vector.broadcast %broadcast_in_dim3A_175 : i1 to vector<16xi1>
        %masked_cumsum3A_177 = tpu.scan <sum>, %scan3A_135#4 masked %broadcast_in_dim3A_176 : vector<16xf32>, vector<16xi1> -> vector<16xf32>
        %mul3A_178 = arith.constant 8 : i32
        %mul3A_179 = arith.muli %add3A_143, %mul3A_178 : i32
        %add3A_180 = arith.constant 4 : i32
        %add3A_181 = arith.addi %mul3A_179, %add3A_180 : i32
        %broadcast_in_dim3A_182 = vector.broadcast %add3A_181 : i32 to vector<16xi32>
        tpu.vector_store_idx %arg9[%broadcast_in_dim3A_182], %masked_cumsum3A_177 masked %eq3A_6 : memref<1024xf32, #tpu.memory_space<vmem>>[vector<16xi32>], vector<16xf32>, vector<16xi1>
        %broadcast_in_dim3A_183 = arith.constant true
        %broadcast_in_dim3A_184 = vector.broadcast %broadcast_in_dim3A_183 : i1 to vector<16xi1>
        %masked_cumsum3A_185 = tpu.scan <sum>, %scan3A_135#5 masked %broadcast_in_dim3A_184 : vector<16xf32>, vector<16xi1> -> vector<16xf32>
        %mul3A_186 = arith.constant 8 : i32
        %mul3A_187 = arith.muli %add3A_143, %mul3A_186 : i32
        %add3A_188 = arith.constant 5 : i32
        %add3A_189 = arith.addi %mul3A_187, %add3A_188 : i32
        %broadcast_in_dim3A_190 = vector.broadcast %add3A_189 : i32 to vector<16xi32>
        tpu.vector_store_idx %arg9[%broadcast_in_dim3A_190], %masked_cumsum3A_185 masked %eq3A_6 : memref<1024xf32, #tpu.memory_space<vmem>>[vector<16xi32>], vector<16xf32>, vector<16xi1>
        %broadcast_in_dim3A_191 = arith.constant true
        %broadcast_in_dim3A_192 = vector.broadcast %broadcast_in_dim3A_191 : i1 to vector<16xi1>
        %masked_cumsum3A_193 = tpu.scan <sum>, %scan3A_135#6 masked %broadcast_in_dim3A_192 : vector<16xf32>, vector<16xi1> -> vector<16xf32>
        %mul3A_194 = arith.constant 8 : i32
        %mul3A_195 = arith.muli %add3A_143, %mul3A_194 : i32
        %add3A_196 = arith.constant 6 : i32
        %add3A_197 = arith.addi %mul3A_195, %add3A_196 : i32
        %broadcast_in_dim3A_198 = vector.broadcast %add3A_197 : i32 to vector<16xi32>
        tpu.vector_store_idx %arg9[%broadcast_in_dim3A_198], %masked_cumsum3A_193 masked %eq3A_6 : memref<1024xf32, #tpu.memory_space<vmem>>[vector<16xi32>], vector<16xf32>, vector<16xi1>
        %broadcast_in_dim3A_199 = arith.constant true
        %broadcast_in_dim3A_200 = vector.broadcast %broadcast_in_dim3A_199 : i1 to vector<16xi1>
        %masked_cumsum3A_201 = tpu.scan <sum>, %scan3A_135#7 masked %broadcast_in_dim3A_200 : vector<16xf32>, vector<16xi1> -> vector<16xf32>
        %mul3A_202 = arith.constant 8 : i32
        %mul3A_203 = arith.muli %add3A_143, %mul3A_202 : i32
        %add3A_204 = arith.constant 7 : i32
        %add3A_205 = arith.addi %mul3A_203, %add3A_204 : i32
        %broadcast_in_dim3A_206 = vector.broadcast %add3A_205 : i32 to vector<16xi32>
        tpu.vector_store_idx %arg9[%broadcast_in_dim3A_206], %masked_cumsum3A_201 masked %eq3A_6 : memref<1024xf32, #tpu.memory_space<vmem>>[vector<16xi32>], vector<16xf32>, vector<16xi1>
        %mul3A_207 = arith.constant 16 : i32
        %mul3A_208 = arith.muli %add3A_121, %mul3A_207 : i32
        %mul3A_209 = arith.constant 4 : i32
        %mul3A_210 = arith.muli %scan3A_128, %mul3A_209 : i32
        %add3A_211 = arith.addi %mul3A_208, %mul3A_210 : i32
        %add3A_212 = arith.constant 1 : i32
        %add3A_213 = arith.addi %add3A_211, %add3A_212 : i32
        %broadcast_in_dim3A_214 = arith.constant true
        %broadcast_in_dim3A_215 = vector.broadcast %broadcast_in_dim3A_214 : i1 to vector<16xi1>
        %masked_cumsum3A_216 = tpu.scan <sum>, %scan3A_135#8 masked %broadcast_in_dim3A_215 : vector<16xf32>, vector<16xi1> -> vector<16xf32>
        %mul3A_217 = arith.constant 8 : i32
        %mul3A_218 = arith.muli %add3A_213, %mul3A_217 : i32
        %add3A_219 = arith.constant 0 : i32
        %add3A_220 = arith.addi %mul3A_218, %add3A_219 : i32
        %broadcast_in_dim3A_221 = vector.broadcast %add3A_220 : i32 to vector<16xi32>
        tpu.vector_store_idx %arg9[%broadcast_in_dim3A_221], %masked_cumsum3A_216 masked %eq3A_6 : memref<1024xf32, #tpu.memory_space<vmem>>[vector<16xi32>], vector<16xf32>, vector<16xi1>
        %broadcast_in_dim3A_222 = arith.constant true
        %broadcast_in_dim3A_223 = vector.broadcast %broadcast_in_dim3A_222 : i1 to vector<16xi1>
        %masked_cumsum3A_224 = tpu.scan <sum>, %scan3A_135#9 masked %broadcast_in_dim3A_223 : vector<16xf32>, vector<16xi1> -> vector<16xf32>
        %mul3A_225 = arith.constant 8 : i32
        %mul3A_226 = arith.muli %add3A_213, %mul3A_225 : i32
        %add3A_227 = arith.constant 1 : i32
        %add3A_228 = arith.addi %mul3A_226, %add3A_227 : i32
        %broadcast_in_dim3A_229 = vector.broadcast %add3A_228 : i32 to vector<16xi32>
        tpu.vector_store_idx %arg9[%broadcast_in_dim3A_229], %masked_cumsum3A_224 masked %eq3A_6 : memref<1024xf32, #tpu.memory_space<vmem>>[vector<16xi32>], vector<16xf32>, vector<16xi1>
        %broadcast_in_dim3A_230 = arith.constant true
        %broadcast_in_dim3A_231 = vector.broadcast %broadcast_in_dim3A_230 : i1 to vector<16xi1>
        %masked_cumsum3A_232 = tpu.scan <sum>, %scan3A_135#10 masked %broadcast_in_dim3A_231 : vector<16xf32>, vector<16xi1> -> vector<16xf32>
        %mul3A_233 = arith.constant 8 : i32
        %mul3A_234 = arith.muli %add3A_213, %mul3A_233 : i32
        %add3A_235 = arith.constant 2 : i32
        %add3A_236 = arith.addi %mul3A_234, %add3A_235 : i32
        %broadcast_in_dim3A_237 = vector.broadcast %add3A_236 : i32 to vector<16xi32>
        tpu.vector_store_idx %arg9[%broadcast_in_dim3A_237], %masked_cumsum3A_232 masked %eq3A_6 : memref<1024xf32, #tpu.memory_space<vmem>>[vector<16xi32>], vector<16xf32>, vector<16xi1>
        %broadcast_in_dim3A_238 = arith.constant true
        %broadcast_in_dim3A_239 = vector.broadcast %broadcast_in_dim3A_238 : i1 to vector<16xi1>
        %masked_cumsum3A_240 = tpu.scan <sum>, %scan3A_135#11 masked %broadcast_in_dim3A_239 : vector<16xf32>, vector<16xi1> -> vector<16xf32>
        %mul3A_241 = arith.constant 8 : i32
        %mul3A_242 = arith.muli %add3A_213, %mul3A_241 : i32
        %add3A_243 = arith.constant 3 : i32
        %add3A_244 = arith.addi %mul3A_242, %add3A_243 : i32
        %broadcast_in_dim3A_245 = vector.broadcast %add3A_244 : i32 to vector<16xi32>
        tpu.vector_store_idx %arg9[%broadcast_in_dim3A_245], %masked_cumsum3A_240 masked %eq3A_6 : memref<1024xf32, #tpu.memory_space<vmem>>[vector<16xi32>], vector<16xf32>, vector<16xi1>
        %broadcast_in_dim3A_246 = arith.constant true
        %broadcast_in_dim3A_247 = vector.broadcast %broadcast_in_dim3A_246 : i1 to vector<16xi1>
        %masked_cumsum3A_248 = tpu.scan <sum>, %scan3A_135#12 masked %broadcast_in_dim3A_247 : vector<16xf32>, vector<16xi1> -> vector<16xf32>
        %mul3A_249 = arith.constant 8 : i32
        %mul3A_250 = arith.muli %add3A_213, %mul3A_249 : i32
        %add3A_251 = arith.constant 4 : i32
        %add3A_252 = arith.addi %mul3A_250, %add3A_251 : i32
        %broadcast_in_dim3A_253 = vector.broadcast %add3A_252 : i32 to vector<16xi32>
        tpu.vector_store_idx %arg9[%broadcast_in_dim3A_253], %masked_cumsum3A_248 masked %eq3A_6 : memref<1024xf32, #tpu.memory_space<vmem>>[vector<16xi32>], vector<16xf32>, vector<16xi1>
        %broadcast_in_dim3A_254 = arith.constant true
        %broadcast_in_dim3A_255 = vector.broadcast %broadcast_in_dim3A_254 : i1 to vector<16xi1>
        %masked_cumsum3A_256 = tpu.scan <sum>, %scan3A_135#13 masked %broadcast_in_dim3A_255 : vector<16xf32>, vector<16xi1> -> vector<16xf32>
        %mul3A_257 = arith.constant 8 : i32
        %mul3A_258 = arith.muli %add3A_213, %mul3A_257 : i32
        %add3A_259 = arith.constant 5 : i32
        %add3A_260 = arith.addi %mul3A_258, %add3A_259 : i32
        %broadcast_in_dim3A_261 = vector.broadcast %add3A_260 : i32 to vector<16xi32>
        tpu.vector_store_idx %arg9[%broadcast_in_dim3A_261], %masked_cumsum3A_256 masked %eq3A_6 : memref<1024xf32, #tpu.memory_space<vmem>>[vector<16xi32>], vector<16xf32>, vector<16xi1>
        %broadcast_in_dim3A_262 = arith.constant true
        %broadcast_in_dim3A_263 = vector.broadcast %broadcast_in_dim3A_262 : i1 to vector<16xi1>
        %masked_cumsum3A_264 = tpu.scan <sum>, %scan3A_135#14 masked %broadcast_in_dim3A_263 : vector<16xf32>, vector<16xi1> -> vector<16xf32>
        %mul3A_265 = arith.constant 8 : i32
        %mul3A_266 = arith.muli %add3A_213, %mul3A_265 : i32
        %add3A_267 = arith.constant 6 : i32
        %add3A_268 = arith.addi %mul3A_266, %add3A_267 : i32
        %broadcast_in_dim3A_269 = vector.broadcast %add3A_268 : i32 to vector<16xi32>
        tpu.vector_store_idx %arg9[%broadcast_in_dim3A_269], %masked_cumsum3A_264 masked %eq3A_6 : memref<1024xf32, #tpu.memory_space<vmem>>[vector<16xi32>], vector<16xf32>, vector<16xi1>
        %broadcast_in_dim3A_270 = arith.constant true
        %broadcast_in_dim3A_271 = vector.broadcast %broadcast_in_dim3A_270 : i1 to vector<16xi1>
        %masked_cumsum3A_272 = tpu.scan <sum>, %scan3A_135#15 masked %broadcast_in_dim3A_271 : vector<16xf32>, vector<16xi1> -> vector<16xf32>
        %mul3A_273 = arith.constant 8 : i32
        %mul3A_274 = arith.muli %add3A_213, %mul3A_273 : i32
        %add3A_275 = arith.constant 7 : i32
        %add3A_276 = arith.addi %mul3A_274, %add3A_275 : i32
        %broadcast_in_dim3A_277 = vector.broadcast %add3A_276 : i32 to vector<16xi32>
        tpu.vector_store_idx %arg9[%broadcast_in_dim3A_277], %masked_cumsum3A_272 masked %eq3A_6 : memref<1024xf32, #tpu.memory_space<vmem>>[vector<16xi32>], vector<16xf32>, vector<16xi1>
        %mul3A_278 = arith.constant 16 : i32
        %mul3A_279 = arith.muli %add3A_121, %mul3A_278 : i32
        %mul3A_280 = arith.constant 4 : i32
        %mul3A_281 = arith.muli %scan3A_128, %mul3A_280 : i32
        %add3A_282 = arith.addi %mul3A_279, %mul3A_281 : i32
        %add3A_283 = arith.constant 2 : i32
        %add3A_284 = arith.addi %add3A_282, %add3A_283 : i32
        %broadcast_in_dim3A_285 = arith.constant true
        %broadcast_in_dim3A_286 = vector.broadcast %broadcast_in_dim3A_285 : i1 to vector<16xi1>
        %masked_cumsum3A_287 = tpu.scan <sum>, %scan3A_135#16 masked %broadcast_in_dim3A_286 : vector<16xf32>, vector<16xi1> -> vector<16xf32>
        %mul3A_288 = arith.constant 8 : i32
        %mul3A_289 = arith.muli %add3A_284, %mul3A_288 : i32
        %add3A_290 = arith.constant 0 : i32
        %add3A_291 = arith.addi %mul3A_289, %add3A_290 : i32
        %broadcast_in_dim3A_292 = vector.broadcast %add3A_291 : i32 to vector<16xi32>
        tpu.vector_store_idx %arg9[%broadcast_in_dim3A_292], %masked_cumsum3A_287 masked %eq3A_6 : memref<1024xf32, #tpu.memory_space<vmem>>[vector<16xi32>], vector<16xf32>, vector<16xi1>
        %broadcast_in_dim3A_293 = arith.constant true
        %broadcast_in_dim3A_294 = vector.broadcast %broadcast_in_dim3A_293 : i1 to vector<16xi1>
        %masked_cumsum3A_295 = tpu.scan <sum>, %scan3A_135#17 masked %broadcast_in_dim3A_294 : vector<16xf32>, vector<16xi1> -> vector<16xf32>
        %mul3A_296 = arith.constant 8 : i32
        %mul3A_297 = arith.muli %add3A_284, %mul3A_296 : i32
        %add3A_298 = arith.constant 1 : i32
        %add3A_299 = arith.addi %mul3A_297, %add3A_298 : i32
        %broadcast_in_dim3A_300 = vector.broadcast %add3A_299 : i32 to vector<16xi32>
        tpu.vector_store_idx %arg9[%broadcast_in_dim3A_300], %masked_cumsum3A_295 masked %eq3A_6 : memref<1024xf32, #tpu.memory_space<vmem>>[vector<16xi32>], vector<16xf32>, vector<16xi1>
        %broadcast_in_dim3A_301 = arith.constant true
        %broadcast_in_dim3A_302 = vector.broadcast %broadcast_in_dim3A_301 : i1 to vector<16xi1>
        %masked_cumsum3A_303 = tpu.scan <sum>, %scan3A_135#18 masked %broadcast_in_dim3A_302 : vector<16xf32>, vector<16xi1> -> vector<16xf32>
        %mul3A_304 = arith.constant 8 : i32
        %mul3A_305 = arith.muli %add3A_284, %mul3A_304 : i32
        %add3A_306 = arith.constant 2 : i32
        %add3A_307 = arith.addi %mul3A_305, %add3A_306 : i32
        %broadcast_in_dim3A_308 = vector.broadcast %add3A_307 : i32 to vector<16xi32>
        tpu.vector_store_idx %arg9[%broadcast_in_dim3A_308], %masked_cumsum3A_303 masked %eq3A_6 : memref<1024xf32, #tpu.memory_space<vmem>>[vector<16xi32>], vector<16xf32>, vector<16xi1>
        %broadcast_in_dim3A_309 = arith.constant true
        %broadcast_in_dim3A_310 = vector.broadcast %broadcast_in_dim3A_309 : i1 to vector<16xi1>
        %masked_cumsum3A_311 = tpu.scan <sum>, %scan3A_135#19 masked %broadcast_in_dim3A_310 : vector<16xf32>, vector<16xi1> -> vector<16xf32>
        %mul3A_312 = arith.constant 8 : i32
        %mul3A_313 = arith.muli %add3A_284, %mul3A_312 : i32
        %add3A_314 = arith.constant 3 : i32
        %add3A_315 = arith.addi %mul3A_313, %add3A_314 : i32
        %broadcast_in_dim3A_316 = vector.broadcast %add3A_315 : i32 to vector<16xi32>
        tpu.vector_store_idx %arg9[%broadcast_in_dim3A_316], %masked_cumsum3A_311 masked %eq3A_6 : memref<1024xf32, #tpu.memory_space<vmem>>[vector<16xi32>], vector<16xf32>, vector<16xi1>
        %broadcast_in_dim3A_317 = arith.constant true
        %broadcast_in_dim3A_318 = vector.broadcast %broadcast_in_dim3A_317 : i1 to vector<16xi1>
        %masked_cumsum3A_319 = tpu.scan <sum>, %scan3A_135#20 masked %broadcast_in_dim3A_318 : vector<16xf32>, vector<16xi1> -> vector<16xf32>
        %mul3A_320 = arith.constant 8 : i32
        %mul3A_321 = arith.muli %add3A_284, %mul3A_320 : i32
        %add3A_322 = arith.constant 4 : i32
        %add3A_323 = arith.addi %mul3A_321, %add3A_322 : i32
        %broadcast_in_dim3A_324 = vector.broadcast %add3A_323 : i32 to vector<16xi32>
        tpu.vector_store_idx %arg9[%broadcast_in_dim3A_324], %masked_cumsum3A_319 masked %eq3A_6 : memref<1024xf32, #tpu.memory_space<vmem>>[vector<16xi32>], vector<16xf32>, vector<16xi1>
        %broadcast_in_dim3A_325 = arith.constant true
        %broadcast_in_dim3A_326 = vector.broadcast %broadcast_in_dim3A_325 : i1 to vector<16xi1>
        %masked_cumsum3A_327 = tpu.scan <sum>, %scan3A_135#21 masked %broadcast_in_dim3A_326 : vector<16xf32>, vector<16xi1> -> vector<16xf32>
        %mul3A_328 = arith.constant 8 : i32
        %mul3A_329 = arith.muli %add3A_284, %mul3A_328 : i32
        %add3A_330 = arith.constant 5 : i32
        %add3A_331 = arith.addi %mul3A_329, %add3A_330 : i32
        %broadcast_in_dim3A_332 = vector.broadcast %add3A_331 : i32 to vector<16xi32>
        tpu.vector_store_idx %arg9[%broadcast_in_dim3A_332], %masked_cumsum3A_327 masked %eq3A_6 : memref<1024xf32, #tpu.memory_space<vmem>>[vector<16xi32>], vector<16xf32>, vector<16xi1>
        %broadcast_in_dim3A_333 = arith.constant true
        %broadcast_in_dim3A_334 = vector.broadcast %broadcast_in_dim3A_333 : i1 to vector<16xi1>
        %masked_cumsum3A_335 = tpu.scan <sum>, %scan3A_135#22 masked %broadcast_in_dim3A_334 : vector<16xf32>, vector<16xi1> -> vector<16xf32>
        %mul3A_336 = arith.constant 8 : i32
        %mul3A_337 = arith.muli %add3A_284, %mul3A_336 : i32
        %add3A_338 = arith.constant 6 : i32
        %add3A_339 = arith.addi %mul3A_337, %add3A_338 : i32
        %broadcast_in_dim3A_340 = vector.broadcast %add3A_339 : i32 to vector<16xi32>
        tpu.vector_store_idx %arg9[%broadcast_in_dim3A_340], %masked_cumsum3A_335 masked %eq3A_6 : memref<1024xf32, #tpu.memory_space<vmem>>[vector<16xi32>], vector<16xf32>, vector<16xi1>
        %broadcast_in_dim3A_341 = arith.constant true
        %broadcast_in_dim3A_342 = vector.broadcast %broadcast_in_dim3A_341 : i1 to vector<16xi1>
        %masked_cumsum3A_343 = tpu.scan <sum>, %scan3A_135#23 masked %broadcast_in_dim3A_342 : vector<16xf32>, vector<16xi1> -> vector<16xf32>
        %mul3A_344 = arith.constant 8 : i32
        %mul3A_345 = arith.muli %add3A_284, %mul3A_344 : i32
        %add3A_346 = arith.constant 7 : i32
        %add3A_347 = arith.addi %mul3A_345, %add3A_346 : i32
        %broadcast_in_dim3A_348 = vector.broadcast %add3A_347 : i32 to vector<16xi32>
        tpu.vector_store_idx %arg9[%broadcast_in_dim3A_348], %masked_cumsum3A_343 masked %eq3A_6 : memref<1024xf32, #tpu.memory_space<vmem>>[vector<16xi32>], vector<16xf32>, vector<16xi1>
        %mul3A_349 = arith.constant 16 : i32
        %mul3A_350 = arith.muli %add3A_121, %mul3A_349 : i32
        %mul3A_351 = arith.constant 4 : i32
        %mul3A_352 = arith.muli %scan3A_128, %mul3A_351 : i32
        %add3A_353 = arith.addi %mul3A_350, %mul3A_352 : i32
        %add3A_354 = arith.constant 3 : i32
        %add3A_355 = arith.addi %add3A_353, %add3A_354 : i32
        %broadcast_in_dim3A_356 = arith.constant true
        %broadcast_in_dim3A_357 = vector.broadcast %broadcast_in_dim3A_356 : i1 to vector<16xi1>
        %masked_cumsum3A_358 = tpu.scan <sum>, %scan3A_135#24 masked %broadcast_in_dim3A_357 : vector<16xf32>, vector<16xi1> -> vector<16xf32>
        %mul3A_359 = arith.constant 8 : i32
        %mul3A_360 = arith.muli %add3A_355, %mul3A_359 : i32
        %add3A_361 = arith.constant 0 : i32
        %add3A_362 = arith.addi %mul3A_360, %add3A_361 : i32
        %broadcast_in_dim3A_363 = vector.broadcast %add3A_362 : i32 to vector<16xi32>
        tpu.vector_store_idx %arg9[%broadcast_in_dim3A_363], %masked_cumsum3A_358 masked %eq3A_6 : memref<1024xf32, #tpu.memory_space<vmem>>[vector<16xi32>], vector<16xf32>, vector<16xi1>
        %broadcast_in_dim3A_364 = arith.constant true
        %broadcast_in_dim3A_365 = vector.broadcast %broadcast_in_dim3A_364 : i1 to vector<16xi1>
        %masked_cumsum3A_366 = tpu.scan <sum>, %scan3A_135#25 masked %broadcast_in_dim3A_365 : vector<16xf32>, vector<16xi1> -> vector<16xf32>
        %mul3A_367 = arith.constant 8 : i32
        %mul3A_368 = arith.muli %add3A_355, %mul3A_367 : i32
        %add3A_369 = arith.constant 1 : i32
        %add3A_370 = arith.addi %mul3A_368, %add3A_369 : i32
        %broadcast_in_dim3A_371 = vector.broadcast %add3A_370 : i32 to vector<16xi32>
        tpu.vector_store_idx %arg9[%broadcast_in_dim3A_371], %masked_cumsum3A_366 masked %eq3A_6 : memref<1024xf32, #tpu.memory_space<vmem>>[vector<16xi32>], vector<16xf32>, vector<16xi1>
        %broadcast_in_dim3A_372 = arith.constant true
        %broadcast_in_dim3A_373 = vector.broadcast %broadcast_in_dim3A_372 : i1 to vector<16xi1>
        %masked_cumsum3A_374 = tpu.scan <sum>, %scan3A_135#26 masked %broadcast_in_dim3A_373 : vector<16xf32>, vector<16xi1> -> vector<16xf32>
        %mul3A_375 = arith.constant 8 : i32
        %mul3A_376 = arith.muli %add3A_355, %mul3A_375 : i32
        %add3A_377 = arith.constant 2 : i32
        %add3A_378 = arith.addi %mul3A_376, %add3A_377 : i32
        %broadcast_in_dim3A_379 = vector.broadcast %add3A_378 : i32 to vector<16xi32>
        tpu.vector_store_idx %arg9[%broadcast_in_dim3A_379], %masked_cumsum3A_374 masked %eq3A_6 : memref<1024xf32, #tpu.memory_space<vmem>>[vector<16xi32>], vector<16xf32>, vector<16xi1>
        %broadcast_in_dim3A_380 = arith.constant true
        %broadcast_in_dim3A_381 = vector.broadcast %broadcast_in_dim3A_380 : i1 to vector<16xi1>
        %masked_cumsum3A_382 = tpu.scan <sum>, %scan3A_135#27 masked %broadcast_in_dim3A_381 : vector<16xf32>, vector<16xi1> -> vector<16xf32>
        %mul3A_383 = arith.constant 8 : i32
        %mul3A_384 = arith.muli %add3A_355, %mul3A_383 : i32
        %add3A_385 = arith.constant 3 : i32
        %add3A_386 = arith.addi %mul3A_384, %add3A_385 : i32
        %broadcast_in_dim3A_387 = vector.broadcast %add3A_386 : i32 to vector<16xi32>
        tpu.vector_store_idx %arg9[%broadcast_in_dim3A_387], %masked_cumsum3A_382 masked %eq3A_6 : memref<1024xf32, #tpu.memory_space<vmem>>[vector<16xi32>], vector<16xf32>, vector<16xi1>
        %broadcast_in_dim3A_388 = arith.constant true
        %broadcast_in_dim3A_389 = vector.broadcast %broadcast_in_dim3A_388 : i1 to vector<16xi1>
        %masked_cumsum3A_390 = tpu.scan <sum>, %scan3A_135#28 masked %broadcast_in_dim3A_389 : vector<16xf32>, vector<16xi1> -> vector<16xf32>
        %mul3A_391 = arith.constant 8 : i32
        %mul3A_392 = arith.muli %add3A_355, %mul3A_391 : i32
        %add3A_393 = arith.constant 4 : i32
        %add3A_394 = arith.addi %mul3A_392, %add3A_393 : i32
        %broadcast_in_dim3A_395 = vector.broadcast %add3A_394 : i32 to vector<16xi32>
        tpu.vector_store_idx %arg9[%broadcast_in_dim3A_395], %masked_cumsum3A_390 masked %eq3A_6 : memref<1024xf32, #tpu.memory_space<vmem>>[vector<16xi32>], vector<16xf32>, vector<16xi1>
        %broadcast_in_dim3A_396 = arith.constant true
        %broadcast_in_dim3A_397 = vector.broadcast %broadcast_in_dim3A_396 : i1 to vector<16xi1>
        %masked_cumsum3A_398 = tpu.scan <sum>, %scan3A_135#29 masked %broadcast_in_dim3A_397 : vector<16xf32>, vector<16xi1> -> vector<16xf32>
        %mul3A_399 = arith.constant 8 : i32
        %mul3A_400 = arith.muli %add3A_355, %mul3A_399 : i32
        %add3A_401 = arith.constant 5 : i32
        %add3A_402 = arith.addi %mul3A_400, %add3A_401 : i32
        %broadcast_in_dim3A_403 = vector.broadcast %add3A_402 : i32 to vector<16xi32>
        tpu.vector_store_idx %arg9[%broadcast_in_dim3A_403], %masked_cumsum3A_398 masked %eq3A_6 : memref<1024xf32, #tpu.memory_space<vmem>>[vector<16xi32>], vector<16xf32>, vector<16xi1>
        %broadcast_in_dim3A_404 = arith.constant true
        %broadcast_in_dim3A_405 = vector.broadcast %broadcast_in_dim3A_404 : i1 to vector<16xi1>
        %masked_cumsum3A_406 = tpu.scan <sum>, %scan3A_135#30 masked %broadcast_in_dim3A_405 : vector<16xf32>, vector<16xi1> -> vector<16xf32>
        %mul3A_407 = arith.constant 8 : i32
        %mul3A_408 = arith.muli %add3A_355, %mul3A_407 : i32
        %add3A_409 = arith.constant 6 : i32
        %add3A_410 = arith.addi %mul3A_408, %add3A_409 : i32
        %broadcast_in_dim3A_411 = vector.broadcast %add3A_410 : i32 to vector<16xi32>
        tpu.vector_store_idx %arg9[%broadcast_in_dim3A_411], %masked_cumsum3A_406 masked %eq3A_6 : memref<1024xf32, #tpu.memory_space<vmem>>[vector<16xi32>], vector<16xf32>, vector<16xi1>
        %broadcast_in_dim3A_412 = arith.constant true
        %broadcast_in_dim3A_413 = vector.broadcast %broadcast_in_dim3A_412 : i1 to vector<16xi1>
        %masked_cumsum3A_414 = tpu.scan <sum>, %scan3A_135#31 masked %broadcast_in_dim3A_413 : vector<16xf32>, vector<16xi1> -> vector<16xf32>
        %mul3A_415 = arith.constant 8 : i32
        %mul3A_416 = arith.muli %add3A_355, %mul3A_415 : i32
        %add3A_417 = arith.constant 7 : i32
        %add3A_418 = arith.addi %mul3A_416, %add3A_417 : i32
        %broadcast_in_dim3A_419 = vector.broadcast %add3A_418 : i32 to vector<16xi32>
        tpu.vector_store_idx %arg9[%broadcast_in_dim3A_419], %masked_cumsum3A_414 masked %eq3A_6 : memref<1024xf32, #tpu.memory_space<vmem>>[vector<16xi32>], vector<16xf32>, vector<16xi1>
      }
      %scan3A_127 = arith.constant 4 : i32
    }
    %scan3A_28 = arith.constant 4 : i32
    %iota3A_29 = tpu.iota {dimensions = array<i32: 0>} : vector<16xi32>
    %broadcast_in_dim3A = arith.constant 0xFF800000 : f32
    %broadcast_in_dim3A_30 = vector.broadcast %broadcast_in_dim3A : f32 to vector<16xf32>
    %broadcast_in_dim3A_31 = arith.constant 0 : i32
    %broadcast_in_dim3A_32 = vector.broadcast %broadcast_in_dim3A_31 : i32 to vector<16xi32>
    %scan3A_33 = arith.constant 0 : i32
    %scan3A_34 = arith.constant 0 : i32
    %scan3A_35 = arith.constant 8 : i32
    %scan3A_36 = arith.addi %scan3A_34, %scan3A_35 : i32
    %scan3A_37 = arith.constant 1 : i32
    scf.for %scan3A_47 = %scan3A_34 to %scan3A_36 step %scan3A_37  : i32 {
      %mul3A_48 = arith.constant 16 : i32
      %mul3A_49 = arith.muli %scan3A_47, %mul3A_48 : i32
      %add3A_50 = vector.broadcast %mul3A_49 : i32 to vector<16xi32>
      %add3A_51 = arith.addi %add3A_50, %iota3A_29 : vector<16xi32>
      %mul3A_52 = arith.constant 8 : i32
      %mul3A_53 = vector.broadcast %mul3A_52 : i32 to vector<16xi32>
      %mul3A_54 = arith.muli %add3A_51, %mul3A_53 : vector<16xi32>
      %add3A_55 = arith.constant 0 : i32
      %add3A_56 = vector.broadcast %add3A_55 : i32 to vector<16xi32>
      %add3A_57 = arith.addi %mul3A_54, %add3A_56 : vector<16xi32>
      %gather3A = tpu.vector_load_idx %arg9[%add3A_57] : memref<1024xf32, #tpu.memory_space<vmem>>[vector<16xi32>], vector<16xf32>,
      %mul3A_58 = arith.constant 8 : i32
      %mul3A_59 = vector.broadcast %mul3A_58 : i32 to vector<16xi32>
      %mul3A_60 = arith.muli %add3A_51, %mul3A_59 : vector<16xi32>
      %add3A_61 = arith.constant 1 : i32
      %add3A_62 = vector.broadcast %add3A_61 : i32 to vector<16xi32>
      %add3A_63 = arith.addi %mul3A_60, %add3A_62 : vector<16xi32>
      %gather3A_64 = tpu.vector_load_idx %arg9[%add3A_63] : memref<1024xf32, #tpu.memory_space<vmem>>[vector<16xi32>], vector<16xf32>,
      %mul3A_65 = arith.constant 8 : i32
      %mul3A_66 = vector.broadcast %mul3A_65 : i32 to vector<16xi32>
      %mul3A_67 = arith.muli %add3A_51, %mul3A_66 : vector<16xi32>
      %add3A_68 = arith.constant 2 : i32
      %add3A_69 = vector.broadcast %add3A_68 : i32 to vector<16xi32>
      %add3A_70 = arith.addi %mul3A_67, %add3A_69 : vector<16xi32>
      %gather3A_71 = tpu.vector_load_idx %arg9[%add3A_70] : memref<1024xf32, #tpu.memory_space<vmem>>[vector<16xi32>], vector<16xf32>,
      %mul3A_72 = arith.constant 8 : i32
      %mul3A_73 = vector.broadcast %mul3A_72 : i32 to vector<16xi32>
      %mul3A_74 = arith.muli %add3A_51, %mul3A_73 : vector<16xi32>
      %add3A_75 = arith.constant 3 : i32
      %add3A_76 = vector.broadcast %add3A_75 : i32 to vector<16xi32>
      %add3A_77 = arith.addi %mul3A_74, %add3A_76 : vector<16xi32>
      %gather3A_78 = tpu.vector_load_idx %arg9[%add3A_77] : memref<1024xf32, #tpu.memory_space<vmem>>[vector<16xi32>], vector<16xf32>,
      %mul3A_79 = arith.constant 8 : i32
      %mul3A_80 = vector.broadcast %mul3A_79 : i32 to vector<16xi32>
      %mul3A_81 = arith.muli %add3A_51, %mul3A_80 : vector<16xi32>
      %add3A_82 = arith.constant 4 : i32
      %add3A_83 = vector.broadcast %add3A_82 : i32 to vector<16xi32>
      %add3A_84 = arith.addi %mul3A_81, %add3A_83 : vector<16xi32>
      %gather3A_85 = tpu.vector_load_idx %arg9[%add3A_84] : memref<1024xf32, #tpu.memory_space<vmem>>[vector<16xi32>], vector<16xf32>,
      %mul3A_86 = arith.constant 8 : i32
      %mul3A_87 = vector.broadcast %mul3A_86 : i32 to vector<16xi32>
      %mul3A_88 = arith.muli %add3A_51, %mul3A_87 : vector<16xi32>
      %add3A_89 = arith.constant 5 : i32
      %add3A_90 = vector.broadcast %add3A_89 : i32 to vector<16xi32>
      %add3A_91 = arith.addi %mul3A_88, %add3A_90 : vector<16xi32>
      %gather3A_92 = tpu.vector_load_idx %arg9[%add3A_91] : memref<1024xf32, #tpu.memory_space<vmem>>[vector<16xi32>], vector<16xf32>,
      %mul3A_93 = arith.constant 8 : i32
      %mul3A_94 = vector.broadcast %mul3A_93 : i32 to vector<16xi32>
      %mul3A_95 = arith.muli %add3A_51, %mul3A_94 : vector<16xi32>
      %add3A_96 = arith.constant 6 : i32
      %add3A_97 = vector.broadcast %add3A_96 : i32 to vector<16xi32>
      %add3A_98 = arith.addi %mul3A_95, %add3A_97 : vector<16xi32>
      %gather3A_99 = tpu.vector_load_idx %arg9[%add3A_98] : memref<1024xf32, #tpu.memory_space<vmem>>[vector<16xi32>], vector<16xf32>,
      %mul3A_100 = arith.constant 8 : i32
      %mul3A_101 = vector.broadcast %mul3A_100 : i32 to vector<16xi32>
      %mul3A_102 = arith.muli %add3A_51, %mul3A_101 : vector<16xi32>
      %add3A_103 = arith.constant 7 : i32
      %add3A_104 = vector.broadcast %add3A_103 : i32 to vector<16xi32>
      %add3A_105 = arith.addi %mul3A_102, %add3A_104 : vector<16xi32>
      %gather3A_106 = tpu.vector_load_idx %arg9[%add3A_105] : memref<1024xf32, #tpu.memory_space<vmem>>[vector<16xi32>], vector<16xf32>,
      %gt3A = arith.cmpf ogt, %gather3A_64, %gather3A : vector<16xf32>
      %select_n3A = arith.select %gt3A, %gather3A_64, %gather3A : vector<16xi1>, vector<16xf32>
      %jit3A = arith.constant 1 : i32
      %broadcast_in_dim3A_107 = vector.broadcast %jit3A : i32 to vector<16xi32>
      %select_n3A_108 = arith.select %gt3A, %broadcast_in_dim3A_107, %broadcast_in_dim3A_32 : vector<16xi1>, vector<16xi32>
      %gt3A_109 = arith.cmpf ogt, %gather3A_71, %select_n3A : vector<16xf32>
      %select_n3A_110 = arith.select %gt3A_109, %gather3A_71, %select_n3A : vector<16xi1>, vector<16xf32>
      %jit3A_111 = arith.constant 2 : i32
      %broadcast_in_dim3A_112 = vector.broadcast %jit3A_111 : i32 to vector<16xi32>
      %select_n3A_113 = arith.select %gt3A_109, %broadcast_in_dim3A_112, %select_n3A_108 : vector<16xi1>, vector<16xi32>
      %gt3A_114 = arith.cmpf ogt, %gather3A_78, %select_n3A_110 : vector<16xf32>
      %select_n3A_115 = arith.select %gt3A_114, %gather3A_78, %select_n3A_110 : vector<16xi1>, vector<16xf32>
      %jit3A_116 = arith.constant 3 : i32
      %broadcast_in_dim3A_117 = vector.broadcast %jit3A_116 : i32 to vector<16xi32>
      %select_n3A_118 = arith.select %gt3A_114, %broadcast_in_dim3A_117, %select_n3A_113 : vector<16xi1>, vector<16xi32>
      %gt3A_119 = arith.cmpf ogt, %gather3A_85, %select_n3A_115 : vector<16xf32>
      %select_n3A_120 = arith.select %gt3A_119, %gather3A_85, %select_n3A_115 : vector<16xi1>, vector<16xf32>
      %jit3A_121 = arith.constant 4 : i32
      %broadcast_in_dim3A_122 = vector.broadcast %jit3A_121 : i32 to vector<16xi32>
      %select_n3A_123 = arith.select %gt3A_119, %broadcast_in_dim3A_122, %select_n3A_118 : vector<16xi1>, vector<16xi32>
      %gt3A_124 = arith.cmpf ogt, %gather3A_92, %select_n3A_120 : vector<16xf32>
      %select_n3A_125 = arith.select %gt3A_124, %gather3A_92, %select_n3A_120 : vector<16xi1>, vector<16xf32>
      %jit3A_126 = arith.constant 5 : i32
      %broadcast_in_dim3A_127 = vector.broadcast %jit3A_126 : i32 to vector<16xi32>
      %select_n3A_128 = arith.select %gt3A_124, %broadcast_in_dim3A_127, %select_n3A_123 : vector<16xi1>, vector<16xi32>
      %gt3A_129 = arith.cmpf ogt, %gather3A_99, %select_n3A_125 : vector<16xf32>
      %select_n3A_130 = arith.select %gt3A_129, %gather3A_99, %select_n3A_125 : vector<16xi1>, vector<16xf32>
      %jit3A_131 = arith.constant 6 : i32
      %broadcast_in_dim3A_132 = vector.broadcast %jit3A_131 : i32 to vector<16xi32>
      %select_n3A_133 = arith.select %gt3A_129, %broadcast_in_dim3A_132, %select_n3A_128 : vector<16xi1>, vector<16xi32>
      %gt3A_134 = arith.cmpf ogt, %gather3A_106, %select_n3A_130 : vector<16xf32>
      %select_n3A_135 = arith.select %gt3A_134, %gather3A_106, %select_n3A_130 : vector<16xi1>, vector<16xf32>
      %jit3A_136 = arith.constant 7 : i32
      %broadcast_in_dim3A_137 = vector.broadcast %jit3A_136 : i32 to vector<16xi32>
      %select_n3A_138 = arith.select %gt3A_134, %broadcast_in_dim3A_137, %select_n3A_133 : vector<16xi1>, vector<16xi32>
      %eq3A_139 = arith.constant 0 : i32
      %eq3A_140 = vector.broadcast %eq3A_139 : i32 to vector<16xi32>
      %eq3A_141 = arith.cmpi eq, %select_n3A_138, %eq3A_140 : vector<16xi32>
      %select_n3A_142 = arith.select %eq3A_141, %broadcast_in_dim3A_30, %gather3A : vector<16xi1>, vector<16xf32>
      %gt3A_143 = arith.cmpf ogt, %select_n3A_142, %broadcast_in_dim3A_30 : vector<16xf32>
      %select_n3A_144 = arith.select %gt3A_143, %select_n3A_142, %broadcast_in_dim3A_30 : vector<16xi1>, vector<16xf32>
      %jit3A_145 = arith.constant 0 : i32
      %broadcast_in_dim3A_146 = vector.broadcast %jit3A_145 : i32 to vector<16xi32>
      %select_n3A_147 = arith.select %gt3A_143, %broadcast_in_dim3A_146, %broadcast_in_dim3A_32 : vector<16xi1>, vector<16xi32>
      %eq3A_148 = arith.constant 1 : i32
      %eq3A_149 = vector.broadcast %eq3A_148 : i32 to vector<16xi32>
      %eq3A_150 = arith.cmpi eq, %select_n3A_138, %eq3A_149 : vector<16xi32>
      %select_n3A_151 = arith.select %eq3A_150, %broadcast_in_dim3A_30, %gather3A_64 : vector<16xi1>, vector<16xf32>
      %gt3A_152 = arith.cmpf ogt, %select_n3A_151, %select_n3A_144 : vector<16xf32>
      %select_n3A_153 = arith.select %gt3A_152, %select_n3A_151, %select_n3A_144 : vector<16xi1>, vector<16xf32>
      %jit3A_154 = arith.constant 1 : i32
      %broadcast_in_dim3A_155 = vector.broadcast %jit3A_154 : i32 to vector<16xi32>
      %select_n3A_156 = arith.select %gt3A_152, %broadcast_in_dim3A_155, %select_n3A_147 : vector<16xi1>, vector<16xi32>
      %eq3A_157 = arith.constant 2 : i32
      %eq3A_158 = vector.broadcast %eq3A_157 : i32 to vector<16xi32>
      %eq3A_159 = arith.cmpi eq, %select_n3A_138, %eq3A_158 : vector<16xi32>
      %select_n3A_160 = arith.select %eq3A_159, %broadcast_in_dim3A_30, %gather3A_71 : vector<16xi1>, vector<16xf32>
      %gt3A_161 = arith.cmpf ogt, %select_n3A_160, %select_n3A_153 : vector<16xf32>
      %select_n3A_162 = arith.select %gt3A_161, %select_n3A_160, %select_n3A_153 : vector<16xi1>, vector<16xf32>
      %jit3A_163 = arith.constant 2 : i32
      %broadcast_in_dim3A_164 = vector.broadcast %jit3A_163 : i32 to vector<16xi32>
      %select_n3A_165 = arith.select %gt3A_161, %broadcast_in_dim3A_164, %select_n3A_156 : vector<16xi1>, vector<16xi32>
      %eq3A_166 = arith.constant 3 : i32
      %eq3A_167 = vector.broadcast %eq3A_166 : i32 to vector<16xi32>
      %eq3A_168 = arith.cmpi eq, %select_n3A_138, %eq3A_167 : vector<16xi32>
      %select_n3A_169 = arith.select %eq3A_168, %broadcast_in_dim3A_30, %gather3A_78 : vector<16xi1>, vector<16xf32>
      %gt3A_170 = arith.cmpf ogt, %select_n3A_169, %select_n3A_162 : vector<16xf32>
      %select_n3A_171 = arith.select %gt3A_170, %select_n3A_169, %select_n3A_162 : vector<16xi1>, vector<16xf32>
      %jit3A_172 = arith.constant 3 : i32
      %broadcast_in_dim3A_173 = vector.broadcast %jit3A_172 : i32 to vector<16xi32>
      %select_n3A_174 = arith.select %gt3A_170, %broadcast_in_dim3A_173, %select_n3A_165 : vector<16xi1>, vector<16xi32>
      %eq3A_175 = arith.constant 4 : i32
      %eq3A_176 = vector.broadcast %eq3A_175 : i32 to vector<16xi32>
      %eq3A_177 = arith.cmpi eq, %select_n3A_138, %eq3A_176 : vector<16xi32>
      %select_n3A_178 = arith.select %eq3A_177, %broadcast_in_dim3A_30, %gather3A_85 : vector<16xi1>, vector<16xf32>
      %gt3A_179 = arith.cmpf ogt, %select_n3A_178, %select_n3A_171 : vector<16xf32>
      %select_n3A_180 = arith.select %gt3A_179, %select_n3A_178, %select_n3A_171 : vector<16xi1>, vector<16xf32>
      %jit3A_181 = arith.constant 4 : i32
      %broadcast_in_dim3A_182 = vector.broadcast %jit3A_181 : i32 to vector<16xi32>
      %select_n3A_183 = arith.select %gt3A_179, %broadcast_in_dim3A_182, %select_n3A_174 : vector<16xi1>, vector<16xi32>
      %eq3A_184 = arith.constant 5 : i32
      %eq3A_185 = vector.broadcast %eq3A_184 : i32 to vector<16xi32>
      %eq3A_186 = arith.cmpi eq, %select_n3A_138, %eq3A_185 : vector<16xi32>
      %select_n3A_187 = arith.select %eq3A_186, %broadcast_in_dim3A_30, %gather3A_92 : vector<16xi1>, vector<16xf32>
      %gt3A_188 = arith.cmpf ogt, %select_n3A_187, %select_n3A_180 : vector<16xf32>
      %select_n3A_189 = arith.select %gt3A_188, %select_n3A_187, %select_n3A_180 : vector<16xi1>, vector<16xf32>
      %jit3A_190 = arith.constant 5 : i32
      %broadcast_in_dim3A_191 = vector.broadcast %jit3A_190 : i32 to vector<16xi32>
      %select_n3A_192 = arith.select %gt3A_188, %broadcast_in_dim3A_191, %select_n3A_183 : vector<16xi1>, vector<16xi32>
      %eq3A_193 = arith.constant 6 : i32
      %eq3A_194 = vector.broadcast %eq3A_193 : i32 to vector<16xi32>
      %eq3A_195 = arith.cmpi eq, %select_n3A_138, %eq3A_194 : vector<16xi32>
      %select_n3A_196 = arith.select %eq3A_195, %broadcast_in_dim3A_30, %gather3A_99 : vector<16xi1>, vector<16xf32>
      %gt3A_197 = arith.cmpf ogt, %select_n3A_196, %select_n3A_189 : vector<16xf32>
      %select_n3A_198 = arith.select %gt3A_197, %select_n3A_196, %select_n3A_189 : vector<16xi1>, vector<16xf32>
      %jit3A_199 = arith.constant 6 : i32
      %broadcast_in_dim3A_200 = vector.broadcast %jit3A_199 : i32 to vector<16xi32>
      %select_n3A_201 = arith.select %gt3A_197, %broadcast_in_dim3A_200, %select_n3A_192 : vector<16xi1>, vector<16xi32>
      %eq3A_202 = arith.constant 7 : i32
      %eq3A_203 = vector.broadcast %eq3A_202 : i32 to vector<16xi32>
      %eq3A_204 = arith.cmpi eq, %select_n3A_138, %eq3A_203 : vector<16xi32>
      %select_n3A_205 = arith.select %eq3A_204, %broadcast_in_dim3A_30, %gather3A_106 : vector<16xi1>, vector<16xf32>
      %gt3A_206 = arith.cmpf ogt, %select_n3A_205, %select_n3A_198 : vector<16xf32>
      %select_n3A_207 = arith.select %gt3A_206, %select_n3A_205, %select_n3A_198 : vector<16xi1>, vector<16xf32>
      %jit3A_208 = arith.constant 7 : i32
      %broadcast_in_dim3A_209 = vector.broadcast %jit3A_208 : i32 to vector<16xi32>
      %select_n3A_210 = arith.select %gt3A_206, %broadcast_in_dim3A_209, %select_n3A_201 : vector<16xi1>, vector<16xi32>
      %sub3A = arith.subf %select_n3A_207, %select_n3A_135 : vector<16xf32>
      %exp3A = math.exp %sub3A : vector<16xf32>
      %add3A_211 = arith.constant 1.000000e+00 : f32
      %add3A_212 = vector.broadcast %add3A_211 : f32 to vector<16xf32>
      %add3A_213 = arith.addf %add3A_212, %exp3A : vector<16xf32>
      %div3A = arith.constant 1.000000e+00 : f32
      %div3A_214 = vector.broadcast %div3A : f32 to vector<16xf32>
      %div3A_215 = arith.divf %div3A_214, %add3A_213 : vector<16xf32>
      %mul3A_216 = arith.mulf %exp3A, %div3A_215 : vector<16xf32>
      %mul3A_217 = arith.constant 2 : i32
      %mul3A_218 = arith.muli %mul3A_217, %mul3A_49 : i32
      %mul3A_219 = arith.constant 2 : i32
      %mul3A_220 = vector.broadcast %mul3A_219 : i32 to vector<16xi32>
      %mul3A_221 = arith.muli %mul3A_220, %iota3A_29 : vector<16xi32>
      %add3A_222 = vector.broadcast %mul3A_218 : i32 to vector<16xi32>
      %add3A_223 = arith.addi %add3A_222, %mul3A_221 : vector<16xi32>
      %add3A_224 = arith.constant 1 : i32
      %add3A_225 = vector.broadcast %add3A_224 : i32 to vector<16xi32>
      %add3A_226 = arith.addi %add3A_223, %add3A_225 : vector<16xi32>
      tpu.vector_store_idx %arg10[%add3A_223], %select_n3A_138 : memref<256xi32, #tpu.memory_space<vmem>>[vector<16xi32>], vector<16xi32>,
      tpu.vector_store_idx %arg10[%add3A_226], %select_n3A_210 : memref<256xi32, #tpu.memory_space<vmem>>[vector<16xi32>], vector<16xi32>,
      tpu.vector_store_idx %arg11[%add3A_223], %div3A_215 : memref<256xf32, #tpu.memory_space<vmem>>[vector<16xi32>], vector<16xf32>,
      tpu.vector_store_idx %arg11[%add3A_226], %mul3A_216 : memref<256xf32, #tpu.memory_space<vmem>>[vector<16xi32>], vector<16xf32>,
    }
    %scan3A_38 = arith.constant 8 : i32
    %mul3A_39 = arith.constant 128 : i32
    %mul3A_40 = arith.muli %add3A, %mul3A_39 : i32
    %mul3A_41 = arith.constant 8 : i32
    %mul3A_42 = arith.muli %mul3A_41, %mul3A_40 : i32
    "tpu.region"() ({
      %run_scoped3A = tpu.sem_alloc : memref<!tpu.dma_semaphore, #tpu.memory_space<semaphore_mem>>
      %dma_start3A_47 = tpu.memref_slice %arg4[%mul3A_42] : memref<32768xf32, #tpu.memory_space<hbm>> -> memref<1024xf32, #tpu.memory_space<hbm>>
      %dma_start3A_48 = tpu.memref_slice %arg4[%mul3A_42] : memref<32768xf32, #tpu.memory_space<hbm>> -> memref<1024xf32, #tpu.memory_space<hbm>>
      tpu.enqueue_dma source(%arg9 : memref<1024xf32, #tpu.memory_space<vmem>>) target(%dma_start3A_48 : memref<1024xf32, #tpu.memory_space<hbm>>) target_semaphore(%run_scoped3A : memref<!tpu.dma_semaphore, #tpu.memory_space<semaphore_mem>>)
      %dma_wait3A = tpu.memref_slice %arg4[%mul3A_42] : memref<32768xf32, #tpu.memory_space<hbm>> -> memref<1024xf32, #tpu.memory_space<hbm>>
      %dma_wait3A_49 = tpu.memref_slice %arg4[%mul3A_42] : memref<32768xf32, #tpu.memory_space<hbm>> -> memref<1024xf32, #tpu.memory_space<hbm>>
      tpu.wait_dma2 semaphore(%run_scoped3A : memref<!tpu.dma_semaphore, #tpu.memory_space<semaphore_mem>>) src(%arg9 : memref<1024xf32, #tpu.memory_space<vmem>>) dst(%dma_wait3A_49 : memref<1024xf32, #tpu.memory_space<hbm>>)
      tpu.yield
    }) : () -> ()
    %mul3A_43 = arith.constant 2 : i32
    %mul3A_44 = arith.muli %mul3A_43, %mul3A_40 : i32
    "tpu.region"() ({
      %run_scoped3A = tpu.sem_alloc : memref<!tpu.dma_semaphore, #tpu.memory_space<semaphore_mem>>
      %dma_start3A_47 = tpu.memref_slice %arg5[%mul3A_44] : memref<8192xi32, #tpu.memory_space<hbm>> -> memref<256xi32, #tpu.memory_space<hbm>>
      %dma_start3A_48 = tpu.memref_slice %arg5[%mul3A_44] : memref<8192xi32, #tpu.memory_space<hbm>> -> memref<256xi32, #tpu.memory_space<hbm>>
      tpu.enqueue_dma source(%arg10 : memref<256xi32, #tpu.memory_space<vmem>>) target(%dma_start3A_48 : memref<256xi32, #tpu.memory_space<hbm>>) target_semaphore(%run_scoped3A : memref<!tpu.dma_semaphore, #tpu.memory_space<semaphore_mem>>)
      %dma_wait3A = tpu.memref_slice %arg5[%mul3A_44] : memref<8192xi32, #tpu.memory_space<hbm>> -> memref<256xi32, #tpu.memory_space<hbm>>
      %dma_wait3A_49 = tpu.memref_slice %arg5[%mul3A_44] : memref<8192xi32, #tpu.memory_space<hbm>> -> memref<256xi32, #tpu.memory_space<hbm>>
      tpu.wait_dma2 semaphore(%run_scoped3A : memref<!tpu.dma_semaphore, #tpu.memory_space<semaphore_mem>>) src(%arg10 : memref<256xi32, #tpu.memory_space<vmem>>) dst(%dma_wait3A_49 : memref<256xi32, #tpu.memory_space<hbm>>)
      tpu.yield
    }) : () -> ()
    %mul3A_45 = arith.constant 2 : i32
    %mul3A_46 = arith.muli %mul3A_45, %mul3A_40 : i32
    "tpu.region"() ({
      %run_scoped3A = tpu.sem_alloc : memref<!tpu.dma_semaphore, #tpu.memory_space<semaphore_mem>>
      %dma_start3A_47 = tpu.memref_slice %arg6[%mul3A_46] : memref<8192xf32, #tpu.memory_space<hbm>> -> memref<256xf32, #tpu.memory_space<hbm>>
      %dma_start3A_48 = tpu.memref_slice %arg6[%mul3A_46] : memref<8192xf32, #tpu.memory_space<hbm>> -> memref<256xf32, #tpu.memory_space<hbm>>
      tpu.enqueue_dma source(%arg11 : memref<256xf32, #tpu.memory_space<vmem>>) target(%dma_start3A_48 : memref<256xf32, #tpu.memory_space<hbm>>) target_semaphore(%run_scoped3A : memref<!tpu.dma_semaphore, #tpu.memory_space<semaphore_mem>>)
      %dma_wait3A = tpu.memref_slice %arg6[%mul3A_46] : memref<8192xf32, #tpu.memory_space<hbm>> -> memref<256xf32, #tpu.memory_space<hbm>>
      %dma_wait3A_49 = tpu.memref_slice %arg6[%mul3A_46] : memref<8192xf32, #tpu.memory_space<hbm>> -> memref<256xf32, #tpu.memory_space<hbm>>
      tpu.wait_dma2 semaphore(%run_scoped3A : memref<!tpu.dma_semaphore, #tpu.memory_space<semaphore_mem>>) src(%arg11 : memref<256xf32, #tpu.memory_space<vmem>>) dst(%dma_wait3A_49 : memref<256xf32, #tpu.memory_space<hbm>>)
      tpu.yield
    }) : () -> ()
    return
  }
}

module attributes {stable_mosaic.version = 14 : i64} {
  func.func @_tc_body(%arg0: i32, %arg1: memref<1024x2048xf32, #tpu.memory_space<vmem>>, %arg2: memref<2048x8xbf16, #tpu.memory_space<vmem>>, %arg3: memref<8x1024xf32, #tpu.memory_space<vmem>>, %arg4: memref<2x1024xi32, #tpu.memory_space<vmem>>, %arg5: memref<2x1024xf32, #tpu.memory_space<vmem>>) attributes {dimension_semantics = [#tpu.dimension_semantics<arbitrary>], iteration_bounds = array<i64: 28>, scalar_prefetch = 0 : i64, scratch_operands = 0 : i64, tpu.core_type = #tpu.core_type<tc>, window_params = [{transform_indices = @transform_0, window_bounds = array<i64: 1024, 2048>}, {pipeline_mode = #tpu.pipeline_mode<synchronous>, transform_indices = @transform_1, window_bounds = array<i64: 2048, 8>}, {transform_indices = @transform_2, window_bounds = array<i64: 8, 1024>}, {transform_indices = @transform_3, window_bounds = array<i64: 2, 1024>}, {transform_indices = @transform_4, window_bounds = array<i64: 2, 1024>}]} {
    %get3A = arith.constant 0 : index
    %get3A_0 = arith.constant 0 : index
    %get3A_1 = vector.load %arg1[%get3A, %get3A_0] : memref<1024x2048xf32, #tpu.memory_space<vmem>>, vector<1024x2048xf32>
    %get3A_2 = arith.constant 0 : index
    %get3A_3 = arith.constant 0 : index
    %get3A_4 = vector.load %arg2[%get3A_2, %get3A_3] : memref<2048x8xbf16, #tpu.memory_space<vmem>>, vector<2048x8xbf16>
    %convert_element_type3A = arith.extf %get3A_4 : vector<2048x8xbf16> to vector<2048x8xf32>
    %dot_general3A = arith.constant dense<0.000000e+00> : vector<8x1024xf32>
    %dot_general3A_5 = tpu.matmul %convert_element_type3A, %get3A_1, %dot_general3A {dimension_numbers = #tpu.dot_dimension_numbers<[0], [1], [1], [0], [0, 1, 1, 0], [], []>, transpose_lhs_hint = false} : vector<2048x8xf32>, vector<1024x2048xf32>, vector<8x1024xf32> -> vector<8x1024xf32>
    %swap3A = arith.constant 0 : index
    %swap3A_6 = arith.constant 0 : index
    %swap3A_7 = vector.load %arg3[%swap3A, %swap3A_6] : memref<8x1024xf32, #tpu.memory_space<vmem>>, vector<8x1024xf32>
    tpu.vector_store %arg3[%swap3A, %swap3A_6], %dot_general3A_5 {strides = array<i32>} : memref<8x1024xf32, #tpu.memory_space<vmem>>, vector<8x1024xf32>,
    %slice3A = vector.extract_strided_slice %dot_general3A_5 {offsets = [0, 0], sizes = [1, 1024], strides = [1, 1]} : vector<8x1024xf32> to vector<1x1024xf32>
    %slice3A_8 = vector.extract_strided_slice %dot_general3A_5 {offsets = [1, 0], sizes = [1, 1024], strides = [1, 1]} : vector<8x1024xf32> to vector<1x1024xf32>
    %slice3A_9 = vector.extract_strided_slice %dot_general3A_5 {offsets = [2, 0], sizes = [1, 1024], strides = [1, 1]} : vector<8x1024xf32> to vector<1x1024xf32>
    %slice3A_10 = vector.extract_strided_slice %dot_general3A_5 {offsets = [3, 0], sizes = [1, 1024], strides = [1, 1]} : vector<8x1024xf32> to vector<1x1024xf32>
    %slice3A_11 = vector.extract_strided_slice %dot_general3A_5 {offsets = [4, 0], sizes = [1, 1024], strides = [1, 1]} : vector<8x1024xf32> to vector<1x1024xf32>
    %slice3A_12 = vector.extract_strided_slice %dot_general3A_5 {offsets = [5, 0], sizes = [1, 1024], strides = [1, 1]} : vector<8x1024xf32> to vector<1x1024xf32>
    %slice3A_13 = vector.extract_strided_slice %dot_general3A_5 {offsets = [6, 0], sizes = [1, 1024], strides = [1, 1]} : vector<8x1024xf32> to vector<1x1024xf32>
    %slice3A_14 = vector.extract_strided_slice %dot_general3A_5 {offsets = [7, 0], sizes = [1, 1024], strides = [1, 1]} : vector<8x1024xf32> to vector<1x1024xf32>
    %broadcast_in_dim3A = arith.constant 0 : i32
    %broadcast_in_dim3A_15 = vector.broadcast %broadcast_in_dim3A : i32 to vector<1x1024xi32>
    %broadcast_in_dim3A_16 = arith.constant 0xFF800000 : f32
    %broadcast_in_dim3A_17 = vector.broadcast %broadcast_in_dim3A_16 : f32 to vector<1x1024xf32>
    %gt3A = arith.cmpf ogt, %slice3A_8, %slice3A : vector<1x1024xf32>
    %select_n3A = arith.select %gt3A, %slice3A_8, %slice3A : vector<1x1024xi1>, vector<1x1024xf32>
    %jit3A = arith.constant 1 : i32
    %broadcast_in_dim3A_18 = vector.broadcast %jit3A : i32 to vector<1x1024xi32>
    %select_n3A_19 = arith.select %gt3A, %broadcast_in_dim3A_18, %broadcast_in_dim3A_15 : vector<1x1024xi1>, vector<1x1024xi32>
    %gt3A_20 = arith.cmpf ogt, %slice3A_9, %select_n3A : vector<1x1024xf32>
    %select_n3A_21 = arith.select %gt3A_20, %slice3A_9, %select_n3A : vector<1x1024xi1>, vector<1x1024xf32>
    %jit3A_22 = arith.constant 2 : i32
    %broadcast_in_dim3A_23 = vector.broadcast %jit3A_22 : i32 to vector<1x1024xi32>
    %select_n3A_24 = arith.select %gt3A_20, %broadcast_in_dim3A_23, %select_n3A_19 : vector<1x1024xi1>, vector<1x1024xi32>
    %gt3A_25 = arith.cmpf ogt, %slice3A_10, %select_n3A_21 : vector<1x1024xf32>
    %select_n3A_26 = arith.select %gt3A_25, %slice3A_10, %select_n3A_21 : vector<1x1024xi1>, vector<1x1024xf32>
    %jit3A_27 = arith.constant 3 : i32
    %broadcast_in_dim3A_28 = vector.broadcast %jit3A_27 : i32 to vector<1x1024xi32>
    %select_n3A_29 = arith.select %gt3A_25, %broadcast_in_dim3A_28, %select_n3A_24 : vector<1x1024xi1>, vector<1x1024xi32>
    %gt3A_30 = arith.cmpf ogt, %slice3A_11, %select_n3A_26 : vector<1x1024xf32>
    %select_n3A_31 = arith.select %gt3A_30, %slice3A_11, %select_n3A_26 : vector<1x1024xi1>, vector<1x1024xf32>
    %jit3A_32 = arith.constant 4 : i32
    %broadcast_in_dim3A_33 = vector.broadcast %jit3A_32 : i32 to vector<1x1024xi32>
    %select_n3A_34 = arith.select %gt3A_30, %broadcast_in_dim3A_33, %select_n3A_29 : vector<1x1024xi1>, vector<1x1024xi32>
    %gt3A_35 = arith.cmpf ogt, %slice3A_12, %select_n3A_31 : vector<1x1024xf32>
    %select_n3A_36 = arith.select %gt3A_35, %slice3A_12, %select_n3A_31 : vector<1x1024xi1>, vector<1x1024xf32>
    %jit3A_37 = arith.constant 5 : i32
    %broadcast_in_dim3A_38 = vector.broadcast %jit3A_37 : i32 to vector<1x1024xi32>
    %select_n3A_39 = arith.select %gt3A_35, %broadcast_in_dim3A_38, %select_n3A_34 : vector<1x1024xi1>, vector<1x1024xi32>
    %gt3A_40 = arith.cmpf ogt, %slice3A_13, %select_n3A_36 : vector<1x1024xf32>
    %select_n3A_41 = arith.select %gt3A_40, %slice3A_13, %select_n3A_36 : vector<1x1024xi1>, vector<1x1024xf32>
    %jit3A_42 = arith.constant 6 : i32
    %broadcast_in_dim3A_43 = vector.broadcast %jit3A_42 : i32 to vector<1x1024xi32>
    %select_n3A_44 = arith.select %gt3A_40, %broadcast_in_dim3A_43, %select_n3A_39 : vector<1x1024xi1>, vector<1x1024xi32>
    %gt3A_45 = arith.cmpf ogt, %slice3A_14, %select_n3A_41 : vector<1x1024xf32>
    %select_n3A_46 = arith.select %gt3A_45, %slice3A_14, %select_n3A_41 : vector<1x1024xi1>, vector<1x1024xf32>
    %jit3A_47 = arith.constant 7 : i32
    %broadcast_in_dim3A_48 = vector.broadcast %jit3A_47 : i32 to vector<1x1024xi32>
    %select_n3A_49 = arith.select %gt3A_45, %broadcast_in_dim3A_48, %select_n3A_44 : vector<1x1024xi1>, vector<1x1024xi32>
    %eq3A = arith.constant 0 : i32
    %eq3A_50 = vector.broadcast %eq3A : i32 to vector<1x1024xi32>
    %eq3A_51 = arith.cmpi eq, %select_n3A_49, %eq3A_50 : vector<1x1024xi32>
    %select_n3A_52 = arith.select %eq3A_51, %broadcast_in_dim3A_17, %slice3A : vector<1x1024xi1>, vector<1x1024xf32>
    %gt3A_53 = arith.cmpf ogt, %select_n3A_52, %broadcast_in_dim3A_17 : vector<1x1024xf32>
    %select_n3A_54 = arith.select %gt3A_53, %select_n3A_52, %broadcast_in_dim3A_17 : vector<1x1024xi1>, vector<1x1024xf32>
    %jit3A_55 = arith.constant 0 : i32
    %broadcast_in_dim3A_56 = vector.broadcast %jit3A_55 : i32 to vector<1x1024xi32>
    %select_n3A_57 = arith.select %gt3A_53, %broadcast_in_dim3A_56, %broadcast_in_dim3A_15 : vector<1x1024xi1>, vector<1x1024xi32>
    %eq3A_58 = arith.constant 1 : i32
    %eq3A_59 = vector.broadcast %eq3A_58 : i32 to vector<1x1024xi32>
    %eq3A_60 = arith.cmpi eq, %select_n3A_49, %eq3A_59 : vector<1x1024xi32>
    %select_n3A_61 = arith.select %eq3A_60, %broadcast_in_dim3A_17, %slice3A_8 : vector<1x1024xi1>, vector<1x1024xf32>
    %gt3A_62 = arith.cmpf ogt, %select_n3A_61, %select_n3A_54 : vector<1x1024xf32>
    %select_n3A_63 = arith.select %gt3A_62, %select_n3A_61, %select_n3A_54 : vector<1x1024xi1>, vector<1x1024xf32>
    %jit3A_64 = arith.constant 1 : i32
    %broadcast_in_dim3A_65 = vector.broadcast %jit3A_64 : i32 to vector<1x1024xi32>
    %select_n3A_66 = arith.select %gt3A_62, %broadcast_in_dim3A_65, %select_n3A_57 : vector<1x1024xi1>, vector<1x1024xi32>
    %eq3A_67 = arith.constant 2 : i32
    %eq3A_68 = vector.broadcast %eq3A_67 : i32 to vector<1x1024xi32>
    %eq3A_69 = arith.cmpi eq, %select_n3A_49, %eq3A_68 : vector<1x1024xi32>
    %select_n3A_70 = arith.select %eq3A_69, %broadcast_in_dim3A_17, %slice3A_9 : vector<1x1024xi1>, vector<1x1024xf32>
    %gt3A_71 = arith.cmpf ogt, %select_n3A_70, %select_n3A_63 : vector<1x1024xf32>
    %select_n3A_72 = arith.select %gt3A_71, %select_n3A_70, %select_n3A_63 : vector<1x1024xi1>, vector<1x1024xf32>
    %jit3A_73 = arith.constant 2 : i32
    %broadcast_in_dim3A_74 = vector.broadcast %jit3A_73 : i32 to vector<1x1024xi32>
    %select_n3A_75 = arith.select %gt3A_71, %broadcast_in_dim3A_74, %select_n3A_66 : vector<1x1024xi1>, vector<1x1024xi32>
    %eq3A_76 = arith.constant 3 : i32
    %eq3A_77 = vector.broadcast %eq3A_76 : i32 to vector<1x1024xi32>
    %eq3A_78 = arith.cmpi eq, %select_n3A_49, %eq3A_77 : vector<1x1024xi32>
    %select_n3A_79 = arith.select %eq3A_78, %broadcast_in_dim3A_17, %slice3A_10 : vector<1x1024xi1>, vector<1x1024xf32>
    %gt3A_80 = arith.cmpf ogt, %select_n3A_79, %select_n3A_72 : vector<1x1024xf32>
    %select_n3A_81 = arith.select %gt3A_80, %select_n3A_79, %select_n3A_72 : vector<1x1024xi1>, vector<1x1024xf32>
    %jit3A_82 = arith.constant 3 : i32
    %broadcast_in_dim3A_83 = vector.broadcast %jit3A_82 : i32 to vector<1x1024xi32>
    %select_n3A_84 = arith.select %gt3A_80, %broadcast_in_dim3A_83, %select_n3A_75 : vector<1x1024xi1>, vector<1x1024xi32>
    %eq3A_85 = arith.constant 4 : i32
    %eq3A_86 = vector.broadcast %eq3A_85 : i32 to vector<1x1024xi32>
    %eq3A_87 = arith.cmpi eq, %select_n3A_49, %eq3A_86 : vector<1x1024xi32>
    %select_n3A_88 = arith.select %eq3A_87, %broadcast_in_dim3A_17, %slice3A_11 : vector<1x1024xi1>, vector<1x1024xf32>
    %gt3A_89 = arith.cmpf ogt, %select_n3A_88, %select_n3A_81 : vector<1x1024xf32>
    %select_n3A_90 = arith.select %gt3A_89, %select_n3A_88, %select_n3A_81 : vector<1x1024xi1>, vector<1x1024xf32>
    %jit3A_91 = arith.constant 4 : i32
    %broadcast_in_dim3A_92 = vector.broadcast %jit3A_91 : i32 to vector<1x1024xi32>
    %select_n3A_93 = arith.select %gt3A_89, %broadcast_in_dim3A_92, %select_n3A_84 : vector<1x1024xi1>, vector<1x1024xi32>
    %eq3A_94 = arith.constant 5 : i32
    %eq3A_95 = vector.broadcast %eq3A_94 : i32 to vector<1x1024xi32>
    %eq3A_96 = arith.cmpi eq, %select_n3A_49, %eq3A_95 : vector<1x1024xi32>
    %select_n3A_97 = arith.select %eq3A_96, %broadcast_in_dim3A_17, %slice3A_12 : vector<1x1024xi1>, vector<1x1024xf32>
    %gt3A_98 = arith.cmpf ogt, %select_n3A_97, %select_n3A_90 : vector<1x1024xf32>
    %select_n3A_99 = arith.select %gt3A_98, %select_n3A_97, %select_n3A_90 : vector<1x1024xi1>, vector<1x1024xf32>
    %jit3A_100 = arith.constant 5 : i32
    %broadcast_in_dim3A_101 = vector.broadcast %jit3A_100 : i32 to vector<1x1024xi32>
    %select_n3A_102 = arith.select %gt3A_98, %broadcast_in_dim3A_101, %select_n3A_93 : vector<1x1024xi1>, vector<1x1024xi32>
    %eq3A_103 = arith.constant 6 : i32
    %eq3A_104 = vector.broadcast %eq3A_103 : i32 to vector<1x1024xi32>
    %eq3A_105 = arith.cmpi eq, %select_n3A_49, %eq3A_104 : vector<1x1024xi32>
    %select_n3A_106 = arith.select %eq3A_105, %broadcast_in_dim3A_17, %slice3A_13 : vector<1x1024xi1>, vector<1x1024xf32>
    %gt3A_107 = arith.cmpf ogt, %select_n3A_106, %select_n3A_99 : vector<1x1024xf32>
    %select_n3A_108 = arith.select %gt3A_107, %select_n3A_106, %select_n3A_99 : vector<1x1024xi1>, vector<1x1024xf32>
    %jit3A_109 = arith.constant 6 : i32
    %broadcast_in_dim3A_110 = vector.broadcast %jit3A_109 : i32 to vector<1x1024xi32>
    %select_n3A_111 = arith.select %gt3A_107, %broadcast_in_dim3A_110, %select_n3A_102 : vector<1x1024xi1>, vector<1x1024xi32>
    %eq3A_112 = arith.constant 7 : i32
    %eq3A_113 = vector.broadcast %eq3A_112 : i32 to vector<1x1024xi32>
    %eq3A_114 = arith.cmpi eq, %select_n3A_49, %eq3A_113 : vector<1x1024xi32>
    %select_n3A_115 = arith.select %eq3A_114, %broadcast_in_dim3A_17, %slice3A_14 : vector<1x1024xi1>, vector<1x1024xf32>
    %gt3A_116 = arith.cmpf ogt, %select_n3A_115, %select_n3A_108 : vector<1x1024xf32>
    %select_n3A_117 = arith.select %gt3A_116, %select_n3A_115, %select_n3A_108 : vector<1x1024xi1>, vector<1x1024xf32>
    %jit3A_118 = arith.constant 7 : i32
    %broadcast_in_dim3A_119 = vector.broadcast %jit3A_118 : i32 to vector<1x1024xi32>
    %select_n3A_120 = arith.select %gt3A_116, %broadcast_in_dim3A_119, %select_n3A_111 : vector<1x1024xi1>, vector<1x1024xi32>
    %sub3A = arith.subf %select_n3A_117, %select_n3A_46 : vector<1x1024xf32>
    %exp3A = math.exp %sub3A : vector<1x1024xf32>
    %add3A = arith.constant 1.000000e+00 : f32
    %add3A_121 = vector.broadcast %add3A : f32 to vector<1x1024xf32>
    %add3A_122 = arith.addf %add3A_121, %exp3A : vector<1x1024xf32>
    %div3A = arith.constant 1.000000e+00 : f32
    %div3A_123 = vector.broadcast %div3A : f32 to vector<1x1024xf32>
    %div3A_124 = arith.divf %div3A_123, %add3A_122 : vector<1x1024xf32>
    %mul3A = arith.mulf %exp3A, %div3A_124 : vector<1x1024xf32>
    %concatenate3A = tpu.concatenate %select_n3A_49, %select_n3A_120 in 0 : vector<1x1024xi32>, vector<1x1024xi32> -> vector<2x1024xi32>
    %swap3A_125 = arith.constant 0 : index
    %swap3A_126 = arith.constant 0 : index
    %swap3A_127 = vector.load %arg4[%swap3A_125, %swap3A_126] : memref<2x1024xi32, #tpu.memory_space<vmem>>, vector<2x1024xi32>
    tpu.vector_store %arg4[%swap3A_125, %swap3A_126], %concatenate3A {strides = array<i32>} : memref<2x1024xi32, #tpu.memory_space<vmem>>, vector<2x1024xi32>,
    %concatenate3A_128 = tpu.concatenate %div3A_124, %mul3A in 0 : vector<1x1024xf32>, vector<1x1024xf32> -> vector<2x1024xf32>
    %swap3A_129 = arith.constant 0 : index
    %swap3A_130 = arith.constant 0 : index
    %swap3A_131 = vector.load %arg5[%swap3A_129, %swap3A_130] : memref<2x1024xf32, #tpu.memory_space<vmem>>, vector<2x1024xf32>
    tpu.vector_store %arg5[%swap3A_129, %swap3A_130], %concatenate3A_128 {strides = array<i32>} : memref<2x1024xf32, #tpu.memory_space<vmem>>, vector<2x1024xf32>,
    return
  }
  func.func @transform_0(%arg0: i32) -> (i32, i32) {
    %c0_i32 = arith.constant 0 : i32
    %c0_i32_0 = arith.constant 0 : i32
    return %arg0, %c0_i32 : i32, i32
  }
  func.func @transform_1(%arg0: i32) -> (i32, i32) {
    %c0_i32 = arith.constant 0 : i32
    %c0_i32_0 = arith.constant 0 : i32
    %c0_i32_1 = arith.constant 0 : i32
    return %c0_i32, %c0_i32_0 : i32, i32
  }
  func.func @transform_2(%arg0: i32) -> (i32, i32) {
    %c0_i32 = arith.constant 0 : i32
    %c0_i32_0 = arith.constant 0 : i32
    return %c0_i32, %arg0 : i32, i32
  }
  func.func @transform_3(%arg0: i32) -> (i32, i32) {
    %c0_i32 = arith.constant 0 : i32
    %c0_i32_0 = arith.constant 0 : i32
    return %c0_i32, %arg0 : i32, i32
  }
  func.func @transform_4(%arg0: i32) -> (i32, i32) {
    %c0_i32 = arith.constant 0 : i32
    %c0_i32_0 = arith.constant 0 : i32
    return %c0_i32, %arg0 : i32, i32
  }
}

</mosaic_0001>

<sc_bundles>
// kernel: kernel.4.cloned.1.call-start
scs
__scs_entry_jumppad:
0x0: {  	(pc) =	sbr.rel $0x88, $3  }
0x1: {  	(tag) =	ssettag $0x0;
	lr =	simm.s32 $0x1  }
0x2: {  	[smem:$0x3F9F] =	sst lr;
	_ =	strace $0xD0000000  }
0x3: {  	_ = 	snop  }
0x4: {  	_ = 	snop  }
0x5: {  	_ = 	snop  }
0x6: {  	_ = 	snop  }
0x7: {  	_ = 	snop  }
__scs_overlays_trampoline_lowered:
0x8: {  	[smem:$0x3FAE] =	sst s0  }
0x9: {  	[smem:$0x3FAF] =	sst s1  }
0xa: {  	[smem:$0x3FB0] =	sst s2  }
0xb: {  	[smem:$0x3FB1] =	sst s3  }
0xc: {  	[smem:$0x3FB2] =	sst s4  }
0xd: {  	[smem:$0x3FB3] =	sst s5  }
0xe: {  	[smem:$0x3FB4] =	sst s6  }
0xf: {  	[smem:$0x3FB5] =	sst s7  }
0x10: {  	[smem:$0x3FB6] =	sst s8  }
0x11: {  	[smem:$0x3FB7] =	sst s9;
	s0 =	simm.s32 @!p0 $0x0  }
0x12: {  	s1 =	sld [smem:$0x3F9D];
	s0 =	simm.s32 @p0 $0x1  }
0x13: {  	[smem:$0x3FB8] =	sst s0;
	s0 =	simm.s32 @!p1 $0x0  }
0x14: {  	s2 =	sld [smem:$0x3F9C];
	s0 =	simm.s32 @p1 $0x1  }
0x15: {  	[smem:$0x3FB9] =	sst s0;
	s0 =	simm.s32 @!p2 $0x0  }
0x16: {  	s3 =	sld [smem:$0x3FDB];
	s0 =	simm.s32 @p2 $0x1  }
0x17: {  	s4 =	simm.s32 $0x1BF5;
	[smem:$0x3FBB] =	sst s0  }
0x18: {  	s0 =	sld [smem:$0x3F9E];
	_ =	swait.ge [sflag:s4], $0x0  }
0x19: {  	s7 =	sld [smem:$0x3F9F]  }
0x1a: {  	s8 =	sadd.s32 $0xFFFFE003, lr  }
0x1b: {  	s9 =	sadd.s32 $0xFFFFFEF7, lr;
	s5 =	simm.s32 $0xFFFFFFFF;
	p2 =	slt.u32 s8, $0xFFFFF086  }
0x1c: {  	p1 =	slt.u32 s9, $0xF7A;
	s5 =	simm.s32 @!p2 $0x0  }
0x1d: {  	s5 =	simm.s32 @p1 $0x1;
	p0 =	seq.s32 s7, s2  }
0x1e: {  	s7 =	smul.u32 @!p0 $0xF7A, s2;
	p2 =	seq.s32 @!p0 s5, $0x0  }
0x1f: {  	s9 =	smul.u32 $0xF7A, s1;
	s8 =	simm.s32 @!p0 $0x1BF5;
	p2 =	por !p2, p0  }
0x20: {  	[sflag:s8] =	ssyncset.s32 @!p0 $0xFFFFF086;
	s6 =	sadd.s32 @!p0 s3, s7;
	s7 =	simm.s32 @!p0 $0x108  }
0x21: {  	s3 =	sadd.s32 s3, s9;
	s6 =	sadd.s32 @!p0 $0x88, s6;
	s7 =	simm.s32 @p2 $0x1082  }
0x22: {  	[simem:s7], [sflag:s8] =	dma.local @!p0 [hbm:s6], $0xF7A  }
0x23: {  	s9 =	sor.u32 $0xD0000000, s2;
	s6 =	simm.s32 $0x108;
	_ =	swait.ge @!p0 [sflag:s8], $0x0  }
0x24: {  	s3 =	sadd.s32 $0x88, s3;
	s6 =	simm.s32 @!p1 $0x1082;
	[sflag:s4] =	ssyncset.s32 $0xFFFFF086  }
0x25: {  	[simem:s6], [sflag:s4] =	dma.local [hbm:s3], $0xF7A  }
0x26: {  	[smem:$0x3F9F] =	sst s1;
	(tag) =	ssettag s2;
	_ =	strace s9  }
0x27: {  	s1 =	sld [smem:$0x3FAF]  }
0x28: {  	s2 =	sld [smem:$0x3FB0]  }
0x29: {  	s4 =	sld [smem:$0x3FB2]  }
0x2a: {  	p0 =	seq.s32 s5, $0x0;
	s5 =	sld [smem:$0x3FB3]  }
0x2b: {  	s6 =	sld [smem:$0x3FB4]  }
0x2c: {  	s7 =	sld [smem:$0x3FB5]  }
0x2d: {  	s3 =	simm.s32 $0x108;
	s8 =	sld [smem:$0x3FB6]  }
0x2e: {  	s3 =	simm.s32 @!p0 $0x1082;
	s9 =	sld [smem:$0x3FB7]  }
0x2f: {  	lr =	sadd.s32 s0, s3;
	s0 =	sld [smem:$0x3FAE]  }
0x30: {  	s3 =	sld [smem:$0x3FB1]  }
0x31: {  	[smem:$0x3FBA] =	sst s10  }
0x32: {  	s10 =	sld [smem:$0x3FB8];
	_ =	sdelay $0x3  }
0x33: {  	p0 =	seq.s32 s10, $0x1;
	s10 =	sld [smem:$0x3FBA];
	_ =	sdelay $0x3  }
0x34: {  	[smem:$0x3FBA] =	sst s10  }
0x35: {  	s10 =	sld [smem:$0x3FB9];
	_ =	sdelay $0x3  }
0x36: {  	p1 =	seq.s32 s10, $0x1;
	s10 =	sld [smem:$0x3FBA];
	_ =	sdelay $0x3  }
0x37: {  	[smem:$0x3FBA] =	sst s10  }
0x38: {  	s10 =	sld [smem:$0x3FBB]  }
0x39: {  	_ = 	snop;
	(pc) =	sbr.ind lr, $3  }
0x3a: {  	_ = 	snop  }
0x3b: {  	_ = 	snop  }
0x3c: {  	p2 =	seq.s32 s10, $0x1;
	s10 =	sld [smem:$0x3FBA]  }
0x3d: {  	_ =	shalt  }
0x3e: {  	_ =	shalt  }
0x3f: {  	_ =	shalt  }
0x40: {  	_ =	shalt  }
0x41: {  	_ =	shalt  }
0x42: {  	_ =	shalt  }
0x43: {  	_ =	shalt  }
0x44: {  	_ =	shalt  }
0x45: {  	_ =	shalt  }
0x46: {  	_ =	shalt  }
0x47: {  	_ =	shalt  }
0x48: {  	_ =	shalt  }
0x49: {  	_ =	shalt  }
0x4a: {  	_ =	shalt  }
0x4b: {  	_ =	shalt  }
0x4c: {  	_ =	shalt  }
0x4d: {  	_ =	shalt  }
0x4e: {  	_ =	shalt  }
0x4f: {  	_ =	shalt  }
0x50: {  	_ =	shalt  }
0x51: {  	_ =	shalt  }
0x52: {  	_ =	shalt  }
0x53: {  	_ =	shalt  }
0x54: {  	_ =	shalt  }
0x55: {  	_ =	shalt  }
0x56: {  	_ =	shalt  }
0x57: {  	_ =	shalt  }
0x58: {  	_ =	shalt  }
0x59: {  	_ =	shalt  }
0x5a: {  	_ =	shalt  }
0x5b: {  	_ =	shalt  }
0x5c: {  	_ =	shalt  }
0x5d: {  	_ =	shalt  }
0x5e: {  	_ =	shalt  }
0x5f: {  	_ =	shalt  }
0x60: {  	_ =	shalt  }
0x61: {  	_ =	shalt  }
0x62: {  	_ =	shalt  }
0x63: {  	_ =	shalt  }
0x64: {  	_ =	shalt  }
0x65: {  	_ =	shalt  }
0x66: {  	_ =	shalt  }
0x67: {  	_ =	shalt  }
0x68: {  	_ =	shalt  }
0x69: {  	_ =	shalt  }
0x6a: {  	_ =	shalt  }
0x6b: {  	_ =	shalt  }
0x6c: {  	_ =	shalt  }
0x6d: {  	_ =	shalt  }
0x6e: {  	_ =	shalt  }
0x6f: {  	_ =	shalt  }
0x70: {  	_ =	shalt  }
0x71: {  	_ =	shalt  }
0x72: {  	_ =	shalt  }
0x73: {  	_ =	shalt  }
0x74: {  	_ =	shalt  }
0x75: {  	_ =	shalt  }
0x76: {  	_ =	shalt  }
0x77: {  	_ =	shalt  }
0x78: {  	_ =	shalt  }
0x79: {  	_ =	shalt  }
0x7a: {  	_ =	shalt  }
0x7b: {  	_ =	shalt  }
0x7c: {  	_ =	shalt  }
0x7d: {  	_ =	shalt  }
0x7e: {  	_ =	shalt  }
0x7f: {  	_ =	shalt  }
0x80: {  	_ =	shalt  }
0x81: {  	_ =	shalt  }
0x82: {  	_ =	shalt  }
0x83: {  	_ =	shalt  }
0x84: {  	_ =	shalt  }
0x85: {  	_ =	shalt  }
0x86: {  	_ =	shalt  }
0x87: {  	_ =	shalt  }
.Lfunc_end0:
.L_simem_size_0:
called_computation_lowered:
.L_overlay_start_0:
0x88: {  	s2 =	sld [smem:$0x3FD9]  }
0x89: {  	s3 =	sld [smem:$0x3FFE];
	_ =	sdelay $0x1  }
0x8a: {  	s1 =	srdreg.scid  }
0x8b: {  	s0 =	sand.u32 $0x1, s1  }
0x8c: {  	s14 =	sshll.u32 s0, $0xA;
	s2 =	sadd.s32 s3, s2  }
0x8d: {  	s2 =	sadd.s32 s2, s14  }
0x8e: {  	[smem:$0x3FC6] =	sst s2  }
0x8f: {  	_ = 	snop  }
0x90: {  	s2 =	sld [smem:$0x3FD0];
	_ =	sdelay $0x2  }
0x91: {  	s4 =	simm.s32 $0xA;
	s5 =	simm.s32 $0x10;
	s15 =	sld [smem:$0x3FC9]  }
0x92: {  	[smem:s5], [sflag:s4] =	dma.local [hbm:s2], $0x1  }
0x93: {  	_ =	swait.eq [sflag:s4], $0x1  }
0x94: {  	s16 =	sld [smem:$0x10];
	[sflag:s4] =	ssyncset.done $0x0  }
0x95: {  	s17 =	sld [smem:$0x11];
	[sflag:s4] =	ssyncadd.s32 $0xFFFFFFFF  }
0x96: {  	s18 =	sld [smem:$0x12];
	(tm) =	ssettm $0x1  }
0x97: {  	s6 =	sld [smem:$0x3FFB];
	_ =	sdelay $0x3  }
0x98: {  	_ =	strace s6  }
0x99: {  	s6 =	sld [smem:$0x3FFC];
	_ =	sdelay $0x3  }
0x9a: {  	_ =	strace s6  }
0x9b: {  	s6 =	sld [smem:$0x3FFD];
	_ =	sdelay $0x3  }
0x9c: {  	_ =	strace s6  }
0x9d: {  	_ =	strace $0x8FFFFFFF  }
0x9e: {  	s19 =	sld [smem:$0x3FDB];
	_ =	sdelay $0x1  }
0x9f: {  	s7 =	simm.s32 $_scs_section_size  }
0xa0: {  	s8 =	simm.s32 $_size__tile_overlayer_lowered;
	s9 =	simm.s32 $_tile_overlayer_lowered  }
0xa1: {  	s22 =	simm.s32 $0x1BFF;
	s21 =	sshll.u32 s9, $0x1;
	s6 =	sadd.s32 s7, s19  }
0xa2: {  	s10 =	simm.s32 $0x0;
	s20 =	sshll.u32 s8, $0x1;
	s8 =	sadd.s32 s21, s6  }
0xa3: {  	[timem:s10], [sflag:s22] =	dma.local [hbm:s8], s20  }
0xa4: {  	_ =	swait.ge [sflag:s22], s20  }
0xa5: {  	s7 =	ssub.s32 $0x0, s20;
	[sflag:s22] =	ssyncset.done $0x0  }
0xa6: {  	[sflag:s22] =	ssyncadd.s32 s7;
	_ =	sdelay $0x1  }
0xa7: {  	s23 =	simm.s32 $0x1B8B  }
0xa8: {  	_ =	swait.ge [sflag:s23], $0x1  }
0xa9: {  	[sflag:s23] =	ssyncset.done $0x0  }
0xaa: {  	s25 =	simm.s32 $0x1B8E;
	s24 =	sld [smem:$0x3FFE];
	[sflag:s23] =	ssyncadd.s32 $0xFFFFFFFF  }
0xab: {  	s26 =	simm.s32 $execute0_lowered;
	[smem:$0x3FD2] =	sst s25  }
0xac: {  	s8 =	sshll.u32 s26, $0x1;
	_ =	strace $0x80000046;
	[dreg:$0x1] =	wrdreg $0xFFFFFFFF  }
0xad: {  	s28 =	simm.s32 $_size_execute0_lowered;
	s6 =	sadd.s32 s6, s8;
	[dreg:$0x0] =	wrdreg $0x0  }
0xae: {  	s8 =	sshll.u32 s28, $0x1;
	[dreg:$0x2] =	wrdreg s6  }
0xaf: {  	[dreg:$0x3] =	wrdreg s8  }
0xb0: {  	[dreg:$0x4] =	wrdreg $0xC0  }
0xb1: {  	_ =	task [dreg:s10], $0x5FFFF  }
0xb2: {  	[dreg:$0x1] =	wrdreg $0xFFFFFFFF  }
0xb3: {  	[dreg:$0x0] =	wrdreg $0x60  }
0xb4: {  	[dreg:$0x2] =	wrdreg s15  }
0xb5: {  	[dreg:$0x3] =	wrdreg s17  }
0xb6: {  	[dreg:$0x4] =	wrdreg s18  }
0xb7: {  	[dreg:$0x5] =	wrdreg s16  }
0xb8: {  	[dreg:$0x6] =	wrdreg s24  }
0xb9: {  	[dreg:$0x7] =	wrdreg $0x9  }
0xba: {  	_ =	task.clear_ibuf [dreg:s10], $0x8FFFF;
	_ =	strace $0x90000046  }
0xbb: {  	s29 =	simm.s32 $0x9;
	_ =	strace $0x80000048  }
0xbc: {  	_ =	swait.ge [sflag:s29], $0x1  }
0xbd: {  	[sflag:s29] =	ssyncadd.s32 $0xFFFFFFFF  }
0xbe: {  	_ =	strace $0x90000048  }
0xbf: {  	_ =	sfence  }
0xc0: {  	s30 =	sld [smem:$0x0];
	_ =	sdelay $0x2  }
0xc1: {  	s31 =	sshll.u32 s1, $0xD;
	s1 =	sshrl.u32 s1, $0x2  }
0xc2: {  	s3 =	sand.u32 $0x4000, s31;
	s1 =	sadd.s32 s1, s30  }
0xc3: {  	s0 =	sor.u32 s3, s0;
	s1 =	sshll.u32 s1, $0x11  }
0xc4: {  	s0 =	sor.u32 s1, s0  }
0xc5: {  	s0 =	sadd.s32 $0x8F2B, s0  }
0xc6: {  	[sflag:s0] =	ssyncadd.remote.s32 $0x1  }
0xc7: {  	_ =	sfence.sel $0xFFFF  }
0xc8: {  	[dreg:$0x0] =	wrdreg $0xFFFFFFFF;
	(pc) =	sbr.abs _section_cstart, $3  }
0xc9: {  	[dreg:$0x1] =	wrdreg $0xFFFFFFFF  }
0xca: {  	_ =	task.clear_ibuf [dreg:s10], $0x2FFFF;
	_ =	strace $0x9FFFFFFF  }
0xcb: {  	(tm) =	ssettm $0x7FFFFFFF  }
tec
execute0_lowered:
.L_overlay_start_1:
0x0: {  	(tag) =	ssettag $0x1  }
0x1: {  	s6 =	rddreg [dreg:$0x0]  }
0x2: {  	s1 =	rddreg [dreg:$0x1]  }
0x3: {  	s8 =	rddreg [dreg:$0x2]  }
0x4: {  	s9 =	rddreg [dreg:$0x3]  }
0x5: {  	s5 =	rddreg [dreg:$0x4]  }
0x6: {  	s4 =	srdreg.scid;
	s2 =	stileid.u32;
	s3 =	simm.s32 $0x0  }
0x7: {  	s15 =	simm.s32 $0x1;
	s16 =	simm.s32 $0x14000;
	s17 =	simm.s32 $0x2  }
0x8: {  	s18 =	simm.s32 $0x14400;
	s19 =	simm.s32 $0x14500;
	s20 =	simm.s32 $0x0  }
0x9: {  	s4 =	sand.u32 $0x1, s4;
	s7 =	sshll.u32 s2, $0x1;
	[smem:$0x7FF] =	sst s3  }
0xa: {  	s7 =	sor.u32 s4, s7;
	_ =	strace $0x80000047;
	s29 =	ssub.s32 $0x2, s4  }
0xb: {  	s10 =	sshll.u32 s7, $0x7;
	s11 =	sshll.u32 s7, $0x5;
	s30 =	sshrl.u32 s29, $0x1  }
0xc: {  	s4 =	sor.u32 $0x1000, s10;
	s12 =	sadd.s32 s11, s5;
	s14 =	ssub.s32 s29, s30  }
0xd: {  	s5 =	sadd.s32 $0x600000, s6;
	s8 =	sadd.s32 s8, s10;
	s9 =	sadd.s32 s9, s11  }
0xe: {  	s13 =	sshll.u32 s4, $0x8;
	s10 =	sadd.s32 $0x1000, s12;
	s11 =	smax.u32 s14, $0x1  }
0xf: {  	s12 =	simm.s32 $0x3;
	s14 =	simm.s32 $0xC000;
	s31 =	sadd.s32 s13, s6  }
0x10: {  	vm0 =	vcmask $0x3F3C;
	v0 =	vlaneseq.u32;
	v1 =	vimm.s32 $0x0;
	s6 =	sadd.s32 s13, s5;
	s13 =	simm.s32 $0x4000;
	s7 =	sadd.s32 $0x602000, s31  }
.LBB2_1:
0x11: {  	[tilespmem:s3], [sflag:$0x3] =	stream.linear.gather [hbm4b:s1+s3], $0x4000, $0x38;
	[tilespmem:$0x14600] =	vst v63  }
0x12: {  	_ =	swait.ge [sflag:s12], $0x4000  }
0x13: {  	[sflag:s12] =	ssyncset.done $0x0  }
0x14: {  	s21 =	simm.s32 $0x0;
	[sflag:s12] =	ssyncadd.s32 $0xFFFFC000  }
0x15: {  	[tilespmem:s13], [sflag:$0x1] =	stream.linear.gather [hbm4b:s6+s3], $0x8000, $0x38;
	[tilespmem:$0x14600] =	vst v63  }
.LBB2_2:
0x16: {  	s22 =	sshll.u32 s21, $0x5  }
0x17: {  	s22 =	sor.u32 $0x10, s22  }
0x18: {  	s23 =	sadd.s32 s4, s22  }
0x19: {  	s23 =	sshll.u32 s23, $0x8  }
0x1a: {  	s24 =	sadd.s32 s23, s5;
	s23 =	simm.s32 $0x0  }
0x1b: {  	[tilespmem:s14], [sflag:$0x2] =	stream.linear.gather [hbm4b:s24+s23], $0x8000, $0x38;
	[tilespmem:$0x14600] =	vst v63  }
0x1c: {  	_ =	swait.ge [sflag:s15], $0x8000  }
0x1d: {  	[sflag:s15] =	ssyncset.done $0x0  }
0x1e: {  	s25 =	simm.s32 $0x0;
	s24 =	sshll.u32 s21, $0x8;
	[sflag:s15] =	ssyncadd.s32 $0xFFFF8000  }
.LBB2_3:
0x1f: {  	s26 =	sshll.u32 s25, $0x9;
	s28 =	sshll.u32 s25, $0xD  }
0x20: {  	s28 =	sand.u32 $0x4000, s28;
	s26 =	sand.u32 $0x200, s26  }
0x21: {  	s26 =	sor.u32 s26, s28  }
0x22: {  	s26 =	sadd.s32 $0x4000, s26  }
0x23: {  	s30 =	sand.u32 $0x70, s23;
	s28 =	sand.u32 $0x3C00, s23;
	v30 =	vmov s26  }
0x24: {  	s26 =	sor.u32 s30, s28  }
0x25: {  	v18 =	vld [tilespmem:s26+$0x180]  }
0x26: {  	v33 =	vld [tilespmem:s26+$0x100]  }
0x27: {  	v6 =	vld [tilespmem:s26+$0x0]  }
0x28: {  	v2 =	vld.idx.msk [tilespmem:v30+s26+$0x180 ss:$0x1], $0xffff  }
0x29: {  	v34 =	vimm.f32 $0.0e+00;
	v43 =	vimm.f32 $0.0e+00;
	v41 =	vimm.f32 $0.0e+00;
	v4 =	vld.idx.msk [tilespmem:v30+s26+$0x80 ss:$0x1], $0xffff  }
0x2a: {  	v42 =	vimm.f32 $0.0e+00;
	v39 =	vimm.f32 $0.0e+00;
	v38 =	vimm.f32 $0.0e+00;
	v3 =	vld.idx.msk [tilespmem:v30+s26+$0x100 ss:$0x1], $0xffff  }
0x2b: {  	v44 =	vimm.f32 $0.0e+00;
	v40 =	vimm.f32 $0.0e+00;
	v23 =	vimm.f32 $0.0e+00;
	s28 =	sand.u32 $0x7, s23;
	v5 =	vld.idx.msk [tilespmem:v30+s26+$0x0 ss:$0x1], $0xffff  }
0x2c: {  	v37 =	vimm.f32 $0.0e+00;
	v35 =	vimm.f32 $0.0e+00;
	v21 =	vimm.f32 $0.0e+00;
	s28 =	sshll.u32 s28, $0x4;
	v8 =	vld [tilespmem:s26+$0x300]  }
0x2d: {  	v22 =	vimm.f32 $0.0e+00;
	v36 =	vimm.f32 $0.0e+00;
	v27 =	vimm.f32 $0.0e+00;
	v17 =	vld [tilespmem:s26+$0x80];
	s28 =	sadd.s32 $0x0, s28  }
0x2e: {  	v25 =	vimm.f32 $0.0e+00;
	v45 =	vimm.f32 $0.0e+00;
	v20 =	vld [tilespmem:s26+$0x200];
	s28 =	sor.u32 $0x380, s28;
	v2 =	vadd.s32 $0x8000, v2  }
0x2f: {  	v26 =	vimm.f32 $0.0e+00;
	v11 =	vld [tilespmem:s28+$0x0];
	v7 =	vadd.s32 $0x8000, v3;
	v9 =	vand.u32 $0xFFFF0000, v2  }
0x30: {  	v5 =	vadd.s32 $0x8000, v5;
	v4 =	vadd.s32 $0x8000, v4;
	v2 =	vmul.f32 v9, v33  }
0x31: {  	v47 =	vand.u32 $0xFFFF0000, v5;
	v10 =	vmul.f32 v9, v8;
	v12 =	vmul.f32 v9, v6  }
0x32: {  	v29 =	vand.u32 $0xFFFF0000, v4;
	v13 =	vmul.f32 v9, v18;
	v14 =	vmul.f32 v9, v17  }
0x33: {  	v16 =	vand.u32 $0xFFFF0000, v7;
	v4 =	vmul.f32 v9, v20;
	v48 =	vmul.f32 v29, v6  }
0x34: {  	v24 =	vimm.f32 $0.0e+00;
	v15 =	vmul.f32 v16, v11;
	v50 =	vmul.f32 v47, v6  }
0x35: {  	v46 =	vimm.f32 $0.0e+00;
	v32 =	vmul.f32 v29, v33;
	v31 =	vmul.f32 v16, v6  }
0x36: {  	v49 =	vmul.f32 v29, v11;
	v3 =	vadd.f32 v2, v34;
	v2 =	vadd.f32 v10, v34  }
0x37: {  	v51 =	vmul.f32 v16, v33;
	v5 =	vadd.f32 v14, v34;
	v4 =	vadd.f32 v4, v34  }
0x38: {  	v10 =	vmul.f32 v47, v11;
	v7 =	vadd.f32 v12, v34;
	v6 =	vadd.f32 v13, v34  }
0x39: {  	v14 =	vimm.f32 $0.0e+00;
	v12 =	vimm.f32 $0.0e+00;
	v13 =	vimm.f32 $0.0e+00  }
0x3a: {  	s31 =	simm.s32 $0x10;
	v19 =	vld [tilespmem:s26+$0x280];
	s28 =	simm.s32 $0x1;
	s26 =	simm.s32 $0x80;
	v28 =	vadd.f32 v10, v34;
	v10 =	vadd.f32 v15, v34;
	v15 =	vimm.f32 $0.0e+00  }
.LBB2_4:
0x3b: {  	s29 =	smov.u32 s31  }
0x3c: {  	s30 =	sand.u32 $0x70, s31;
	s0 =	sand.u32 $0x3C00, s26;
	v34 =	vadd.f32 v50, v34;
	v50 =	vmul.f32 v47, v18;
	v52 =	vmul.f32 v29, v8;
	s29 =	sadd.s32 $0x10, s31  }
0x3d: {  	p0 =	sne.s32 s31, $0x7F0;
	v53 =	vmul.f32 v47, v33;
	v33 =	vmul.f32 v16, v20;
	s30 =	sor.u32 s30, s0;
	v43 =	vadd.f32 v51, v43  }
0x3e: {  	v54 =	vmul.f32 v47, v17;
	v42 =	vadd.f32 v49, v42;
	v41 =	vadd.f32 v50, v41;
	v51 =	vld [tilespmem:s30+$0x200]  }
0x3f: {  	v50 =	vmul.f32 v47, v20;
	v39 =	vadd.f32 v52, v39;
	v38 =	vadd.f32 v33, v38;
	v49 =	vld [tilespmem:s30+$0x180]  }
0x40: {  	s0 =	sand.u32 $0x7, s28;
	v44 =	vadd.f32 v54, v44;
	v52 =	vmul.f32 v29, v19;
	v54 =	vmul.f32 v16, v19;
	v33 =	vld [tilespmem:s30+$0x100]  }
0x41: {  	v56 =	vmul.f32 v16, v18;
	s0 =	sshll.u32 s0, $0x4;
	v40 =	vadd.f32 v53, v40;
	v53 =	vmul.f32 v47, v8;
	v55 =	vld [tilespmem:s30+$0x0]  }
0x42: {  	v58 =	vmul.f32 v29, v17;
	s0 =	sadd.s32 s0, s26;
	v23 =	vadd.f32 v52, v23;
	v14 =	vadd.f32 v54, v14;
	v57 =	vld.idx.msk [tilespmem:v30+s30+$0x180 ss:$0x1], $0xffff  }
0x43: {  	v37 =	vadd.f32 v48, v37;
	v48 =	vmul.f32 v29, v18;
	v11 =	vmul.f32 v9, v11;
	s0 =	sor.u32 $0x380, s0;
	v52 =	vld.idx.msk [tilespmem:v30+s30+$0x80 ss:$0x1], $0xffff  }
0x44: {  	v35 =	vadd.f32 v58, v35;
	v59 =	vmul.f32 v47, v19;
	v29 =	vmul.f32 v29, v20;
	v54 =	vld.idx.msk [tilespmem:v30+s30+$0x100 ss:$0x1], $0xffff  }
0x45: {  	v21 =	vadd.f32 v31, v21;
	v31 =	vmul.f32 v16, v8;
	v22 =	vadd.f32 v56, v22;
	v47 =	vld.idx.msk [tilespmem:v30+s30+$0x0 ss:$0x1], $0xffff  }
0x46: {  	v12 =	vadd.f32 v11, v12;
	v19 =	vmul.f32 v9, v19;
	v36 =	vadd.f32 v59, v36;
	v20 =	vmovc v51;
	v8 =	vld [tilespmem:s30+$0x300]  }
0x47: {  	v27 =	vadd.f32 v32, v27;
	v11 =	vmul.f32 v16, v17;
	v25 =	vadd.f32 v29, v25;
	v18 =	vmovc v49;
	v17 =	vld [tilespmem:s30+$0x80]  }
0x48: {  	v26 =	vadd.f32 v48, v26;
	v45 =	vadd.f32 v50, v45;
	v9 =	vadd.s32 $0x8000, v57  }
0x49: {  	v15 =	vadd.f32 v31, v15;
	v24 =	vadd.f32 v11, v24;
	v9 =	vand.u32 $0xFFFF0000, v9  }
0x4a: {  	v13 =	vadd.f32 v19, v13;
	v16 =	vadd.s32 $0x8000, v54;
	v29 =	vmul.f32 v9, v33;
	v11 =	vld [tilespmem:s0+$0x0]  }
0x4b: {  	v46 =	vadd.f32 v53, v46;
	v19 =	vadd.s32 $0x8000, v47;
	v31 =	vmul.f32 v9, v8  }
0x4c: {  	v32 =	vmul.f32 v9, v55;
	v53 =	vmul.f32 v9, v18;
	v3 =	vadd.f32 v29, v3  }
0x4d: {  	v29 =	vadd.s32 $0x8000, v52;
	v49 =	vmul.f32 v9, v17;
	v2 =	vadd.f32 v31, v2  }
0x4e: {  	v47 =	vand.u32 $0xFFFF0000, v19;
	v19 =	vmul.f32 v9, v20;
	v29 =	vand.u32 $0xFFFF0000, v29  }
.Ltmp0:
0x4f: {  	v16 =	vand.u32 $0xFFFF0000, v16;
	v48 =	vmul.f32 v29, v55;
	v31 =	vmul.f32 v47, v11;
	(pc) =	sbr.rel @p0 .LBB2_4-.Ltmp0, $4  }
0x50: {  	v4 =	vadd.f32 v19, v4;
	v5 =	vadd.f32 v49, v5;
	v51 =	vmul.f32 v16, v11  }
0x51: {  	v7 =	vadd.f32 v32, v7;
	v50 =	vmul.f32 v47, v55;
	v28 =	vadd.f32 v31, v28  }
0x52: {  	v32 =	vmul.f32 v29, v33;
	v31 =	vmul.f32 v16, v55;
	v10 =	vadd.f32 v51, v10  }
0x53: {  	s28 =	sadd.s32 $0x1, s28;
	s31 =	smov.u32 s29;
	s26 =	sadd.s32 $0x80, s26;
	v6 =	vadd.f32 v53, v6;
	v49 =	vmul.f32 v29, v11;
	v51 =	vmul.f32 v16, v33;
	v19 =	vld [tilespmem:s30+$0x280]  }
0x54: {  	v30 =	vmul.f32 v47, v18;
	v52 =	vmul.f32 v29, v8;
	v34 =	vadd.f32 v50, v34  }
0x55: {  	v56 =	vmul.f32 v47, v33;
	v53 =	vmul.f32 v47, v17;
	v37 =	vadd.f32 v48, v37  }
0x56: {  	v57 =	vmul.f32 v16, v20;
	v27 =	vadd.f32 v32, v27;
	v21 =	vadd.f32 v31, v21  }
0x57: {  	v58 =	vmul.f32 v47, v20;
	v33 =	vadd.f32 v51, v43;
	v42 =	vadd.f32 v49, v42  }
0x58: {  	v59 =	vmul.f32 v29, v17;
	s0 =	sshll.u32 s25, $0x5;
	v41 =	vadd.f32 v30, v41;
	v44 =	vadd.f32 v53, v44  }
0x59: {  	v61 =	vmul.f32 v47, v8;
	s26 =	sadd.s32 s24, s0;
	v39 =	vadd.f32 v52, v39;
	v40 =	vadd.f32 v56, v40  }
0x5a: {  	v11 =	vmul.f32 v9, v11;
	v30 =	vadd.f32 v57, v38;
	v62 =	vadd.f32 v58, v45;
	s0 =	sor.u32 $0x1, s26  }
0x5b: {  	(xrf2) =	vadd.scan.msk.f32 $0xffff, v34;
	v34 =	vadd.f32 v59, v35;
	v45 =	vadd.f32 v61, v46;
	s31 =	sor.u32 $0x3, s26;
	s28 =	sor.u32 $0x4, s26;
	s29 =	sor.u32 $0x5, s26;
	v46 =	vmov s0  }
0x5c: {  	s30 =	sor.u32 $0x2, s26;
	v50 =	vmov s31;
	v53 =	vmov s28;
	v55 =	vmov s29  }
0x5d: {  	v51 =	vmul.f32 v29, v19;
	v60 =	vmul.f32 v47, v19;
	v47 =	vmov s30  }
0x5e: {  	s31 =	sor.u32 $0x7, s26;
	s29 =	sor.u32 $0x9, s26;
	v52 =	vand.u32 $0xFFFFFFE3, v50;
	v54 =	vand.u32 $0xFFFFFFE4, v53;
	v56 =	vand.u32 $0xFFFFFFE5, v55  }
0x5f: {  	(xrf2) =	vadd.scan.msk.f32 $0xffff, v44;
	s30 =	sor.u32 $0x6, s26;
	v59 =	vmov s31;
	v50 =	vmov s29;
	v32 =	vmul.f32 v16, v19  }
0x60: {  	(xrf2) =	vadd.scan.msk.f32 $0xffff, v40;
	v40 =	vmov s26;
	v49 =	vand.u32 $0xFFFFFFE2, v47;
	v57 =	vmov s30  }
0x61: {  	v61 =	vand.u32 $0xFFFFFFE7, v59;
	v63 =	vadd.f32 v60, v36;
	(xrf2) =	vadd.scan.msk.f32 $0xffff, v41;
	v36 =	vand.u32 $0xFFFFFFE0, v40  }
0x62: {  	s28 =	sor.u32 $0x8, s26;
	v40 =	vand.u32 $0xFFFFFFE1, v46;
	v38 =	vbroadcast v49, $0x0;
	(xrf2) =	vadd.scan.msk.f32 $0xffff, v62;
	v36 =	vbroadcast v36, $0x0  }
0x63: {  	v48 =	vbroadcast v40, $0x0;
	v40 =	vbroadcast v56, $0x0;
	v62 =	vmov s28;
	(xrf2) =	vadd.scan.msk.f32 $0xffff, v63  }
0x64: {  	v56 =	vmul.f32 v29, v20;
	v49 =	vand.u32 $0xFFFFFFE8, v62;
	v62 =	vmul.f32 v16, v17;
	(xrf2) =	vadd.scan.msk.f32 $0xffff, v45  }
0x65: {  	v23 =	vadd.f32 v51, v23;
	(xrf2) =	vadd.scan.msk.f32 $0xffff, v28;
	v28 =	vbroadcast v52, $0x0;
	v52 =	vmul.f32 v29, v18  }
0x66: {  	v55 =	vand.u32 $0xFFFFFFE9, v50;
	v14 =	vadd.f32 v32, v14;
	v20 =	vadd.f32 v56, v25;
	(xrf2) =	vadd.scan.msk.f32 $0xffff, v37  }
0x67: {  	s30 =	sor.u32 $0xA, s26;
	v41 =	vand.u32 $0xFFFFFFE6, v57;
	v17 =	vadd.f32 v62, v24;
	(xrf2) =	vadd.scan.msk.f32 $0xffff, v34;
	v26 =	vadd.f32 v52, v26  }
0x68: {  	v37 =	vbroadcast v54, $0x0;
	v54 =	vbroadcast v49, $0x0;
	v58, _, _ =	vpop (xrf2);
	v34 =	vmov s30;
	s30 =	sor.u32 $0xE, s26;
	(xrf2) =	vadd.scan.msk.f32 $0xffff, v27  }
0x69: {  	[tilespmem:v36+s16+$0x0] =	vst.idx.msk vm0, v58;
	v36 =	vbroadcast v41, $0x0;
	v41 =	vmov s30;
	v60, _, _ =	vpop (xrf2);
	(xrf2) =	vadd.scan.msk.f32 $0xffff, v26  }
0x6a: {  	v58 =	vbroadcast v55, $0x0;
	v35 =	vand.u32 $0xFFFFFFEA, v34;
	s30 =	sor.u32 $0x12, s26;
	v43 =	vand.u32 $0xFFFFFFEE, v41;
	v63, _, _ =	vpop (xrf2);
	(xrf2) =	vadd.scan.msk.f32 $0xffff, v20  }
0x6b: {  	v51 =	vmov s30;
	[tilespmem:v48+s16+$0x0] =	vst.idx.msk vm0, v60;
	v48 =	vbroadcast v61, $0x0;
	v53, _, _ =	vpop (xrf2);
	(xrf2) =	vadd.scan.msk.f32 $0xffff, v23  }
0x6c: {  	s29 =	sor.u32 $0xD, s26;
	s30 =	sor.u32 $0x16, s26;
	v60 =	vmul.f32 v16, v18;
	v20 =	vbroadcast v35, $0x0;
	[tilespmem:v38+s16+$0x0] =	vst.idx.msk vm0, v63;
	v57, _, _ =	vpop (xrf2);
	(xrf2) =	vadd.scan.msk.f32 $0xffff, v39  }
0x6d: {  	v35 =	vmov s30;
	v38 =	vmov s29;
	s29 =	sor.u32 $0x11, s26;
	[tilespmem:v28+s16+$0x0] =	vst.idx.msk vm0, v53;
	v59, _, _ =	vpop (xrf2);
	(xrf2) =	vadd.scan.msk.f32 $0xffff, v42  }
0x6e: {  	s28 =	sor.u32 $0xC, s26;
	v18 =	vadd.f32 v60, v22;
	v47 =	vmov s29;
	v60 =	vmul.f32 v16, v8;
	v61, _, _ =	vpop (xrf2);
	(xrf2) =	vadd.scan.msk.f32 $0xffff, v21  }
0x6f: {  	[tilespmem:v37+s16+$0x0] =	vst.idx.msk vm0, v57;
	v37 =	vmov s28;
	v50 =	vand.u32 $0xFFFFFFF1, v47;
	v63, _, _ =	vpop (xrf2);
	(xrf2) =	vadd.scan.msk.f32 $0xffff, v17  }
0x70: {  	s28 =	sor.u32 $0x10, s26;
	[tilespmem:v40+s16+$0x0] =	vst.idx.msk vm0, v59;
	v23 =	vand.u32 $0xFFFFFFEC, v37;
	v40 =	vand.u32 $0xFFFFFFED, v38;
	v28, _, _ =	vpop (xrf2);
	(xrf2) =	vadd.scan.msk.f32 $0xffff, v33  }
0x71: {  	s31 =	sor.u32 $0xB, s26;
	v45 =	vmov s28;
	v53 =	vbroadcast v50, $0x0;
	v8 =	vadd.f32 v60, v15;
	v31, _, _ =	vpop (xrf2);
	(xrf2) =	vadd.scan.msk.f32 $0xffff, v18  }
0x72: {  	v37 =	vand.u32 $0xFFFFFFF6, v35;
	[tilespmem:v36+s16+$0x0] =	vst.idx.msk vm0, v61;
	v36 =	vmov s31;
	v46, _, _ =	vpop (xrf2);
	(xrf2) =	vadd.scan.msk.f32 $0xffff, v30  }
0x73: {  	v39 =	vbroadcast v23, $0x0;
	v42 =	vbroadcast v40, $0x0;
	[tilespmem:v48+s16+$0x0] =	vst.idx.msk vm0, v63;
	v22 =	vand.u32 $0xFFFFFFEB, v36;
	v48, _, _ =	vpop (xrf2)  }
0x74: {  	s28 =	sor.u32 $0x14, s26;
	s31 =	sor.u32 $0xF, s26;
	v23 =	vbroadcast v43, $0x0;
	v25 =	vand.u32 $0xFFFFFFF0, v45;
	v22 =	vbroadcast v22, $0x0;
	v52, _, _ =	vpop (xrf2)  }
0x75: {  	s29 =	sor.u32 $0x15, s26;
	v59 =	vmov s28;
	s28 =	sor.u32 $0x18, s26;
	v44 =	vmov s31;
	v49 =	vbroadcast v25, $0x0;
	v56, _, _ =	vpop (xrf2)  }
0x76: {  	v63 =	vand.u32 $0xFFFFFFF4, v59;
	v33 =	vmov s29;
	v40 =	vmov s28;
	v61, _, _ =	vpop (xrf2)  }
0x77: {  	s31 =	sor.u32 $0x13, s26;
	[tilespmem:v54+s16+$0x0] =	vst.idx.msk vm0, v28;
	v24 =	vand.u32 $0xFFFFFFEF, v44;
	v54 =	vand.u32 $0xFFFFFFF2, v51;
	v18 =	vbroadcast v63, $0x0;
	v25, _, _ =	vpop (xrf2)  }
0x78: {  	s29 =	sor.u32 $0x19, s26;
	v55 =	vmov s31;
	v28 =	vmul.f32 v9, v19;
	[tilespmem:v58+s16+$0x0] =	vst.idx.msk vm0, v31;
	v24 =	vbroadcast v24, $0x0;
	v26, _, _ =	vpop (xrf2)  }
0x79: {  	v34 =	vand.u32 $0xFFFFFFF5, v33;
	v43 =	vmov s29;
	[tilespmem:v20+s16+$0x0] =	vst.idx.msk vm0, v46;
	(xrf2) =	vadd.scan.msk.f32 $0xffff, v14;
	v27, _, _ =	vpop (xrf2)  }
0x7a: {  	v57 =	vbroadcast v54, $0x0;
	v58 =	vand.u32 $0xFFFFFFF3, v55;
	(xrf2) =	vadd.scan.msk.f32 $0xffff, v8;
	[tilespmem:v22+s16+$0x0] =	vst.idx.msk vm0, v48;
	v29, _, _ =	vpop (xrf2)  }
0x7b: {  	s31 =	sor.u32 $0x17, s26;
	v30 =	vadd.f32 v11, v12;
	v36 =	vbroadcast v34, $0x0;
	(xrf2) =	vadd.scan.msk.f32 $0xffff, v10;
	[tilespmem:v39+s16+$0x0] =	vst.idx.msk vm0, v52;
	v31, _, _ =	vpop (xrf2)  }
0x7c: {  	s30 =	sor.u32 $0x1A, s26;
	v38 =	vmov s31;
	v62 =	vbroadcast v58, $0x0;
	[tilespmem:v42+s16+$0x0] =	vst.idx.msk vm0, v56;
	v32, _, _ =	vpop (xrf2);
	(xrf2) =	vadd.scan.msk.f32 $0xffff, v7  }
0x7d: {  	v45 =	vand.u32 $0xFFFFFFF9, v43;
	v46 =	vmov s30;
	[tilespmem:v23+s16+$0x0] =	vst.idx.msk vm0, v61;
	(xrf2) =	vadd.scan.msk.f32 $0xffff, v5  }
0x7e: {  	v9 =	vadd.f32 v28, v13;
	v47 =	vand.u32 $0xFFFFFFFA, v46;
	[tilespmem:v24+s16+$0x0] =	vst.idx.msk vm0, v25;
	(xrf2) =	vadd.scan.msk.f32 $0xffff, v3  }
0x7f: {  	v39 =	vand.u32 $0xFFFFFFF7, v38;
	[tilespmem:v49+s16+$0x0] =	vst.idx.msk vm0, v26;
	v3 =	vbroadcast v37, $0x0;
	(xrf2) =	vadd.scan.msk.f32 $0xffff, v6  }
0x80: {  	s31 =	sor.u32 $0x1B, s26;
	v41 =	vbroadcast v39, $0x0;
	v42 =	vand.u32 $0xFFFFFFF8, v40;
	[tilespmem:v53+s16+$0x0] =	vst.idx.msk vm0, v27;
	(xrf2) =	vadd.scan.msk.f32 $0xffff, v4  }
0x81: {  	v48 =	vmov s31;
	v44 =	vbroadcast v42, $0x0;
	[tilespmem:v57+s16+$0x0] =	vst.idx.msk vm0, v29;
	(xrf2) =	vadd.scan.msk.f32 $0xffff, v9  }
0x82: {  	s28 =	sor.u32 $0x1C, s26;
	v10 =	vand.u32 $0xFFFFFFFB, v48;
	v7 =	vbroadcast v45, $0x0;
	[tilespmem:v62+s16+$0x0] =	vst.idx.msk vm0, v31;
	(xrf2) =	vadd.scan.msk.f32 $0xffff, v2  }
0x83: {  	s29 =	sor.u32 $0x1D, s26;
	v49 =	vmov s28;
	[tilespmem:v18+s16+$0x0] =	vst.idx.msk vm0, v32;
	v9 =	vbroadcast v47, $0x0;
	v2, _, _ =	vpop (xrf2);
	(xrf2) =	vadd.scan.msk.f32 $0xffff, v30  }
0x84: {  	s30 =	sor.u32 $0x1E, s26;
	v52 =	vmov s29;
	v51 =	vand.u32 $0xFFFFFFFC, v49;
	v50, _, _ =	vpop (xrf2);
	[tilespmem:v36+s16+$0x0] =	vst.idx.msk vm0, v2;
	v2 =	vbroadcast v10, $0x0  }
0x85: {  	v55 =	vmov s30;
	v54 =	vand.u32 $0xFFFFFFFD, v52;
	v53, _, _ =	vpop (xrf2);
	[tilespmem:v3+s16+$0x0] =	vst.idx.msk vm0, v50;
	v3 =	vbroadcast v51, $0x0  }
0x86: {  	v5 =	vbroadcast v54, $0x0;
	v57 =	vand.u32 $0xFFFFFFFE, v55;
	[tilespmem:v41+s16+$0x0] =	vst.idx.msk vm0, v53;
	v56, _, _ =	vpop (xrf2)  }
0x87: {  	v59 =	vbroadcast v57, $0x0;
	v58, _, _ =	vpop (xrf2);
	[tilespmem:v44+s16+$0x0] =	vst.idx.msk vm0, v56  }
0x88: {  	s25 =	sadd.s32 $0x1, s25;
	s31 =	sor.u32 $0x1F, s26;
	v60, _, _ =	vpop (xrf2);
	[tilespmem:v7+s16+$0x0] =	vst.idx.msk vm0, v58  }
0x89: {  	p0 =	sne.s32 s25, $0x4;
	v62 =	vmov s31;
	v61, _, _ =	vpop (xrf2);
	[tilespmem:v9+s16+$0x0] =	vst.idx.msk vm0, v60  }
.Ltmp1:
0x8a: {  	v63, _, _ =	vpop (xrf2);
	[tilespmem:v2+s16+$0x0] =	vst.idx.msk vm0, v61;
	(pc) =	sbr.rel @p0 .LBB2_3-.Ltmp1, $4  }
0x8b: {  	v2, _, _ =	vpop (xrf2);
	[tilespmem:v3+s16+$0x0] =	vst.idx.msk vm0, v63  }
0x8c: {  	v3, _, _ =	vpop (xrf2);
	[tilespmem:v5+s16+$0x0] =	vst.idx.msk vm0, v2  }
0x8d: {  	[tilespmem:v59+s16+$0x0] =	vst.idx.msk vm0, v3;
	v2, _, _ =	vpop (xrf2)  }
0x8e: {  	[tilespmem:v62+s16+$0x0] =	vst.idx.msk vm0, v2  }
0x8f: {  	p0 =	seq.s32 s21, $0x3  }
0x90: {  	s0 =	sshll.u32 @!p0 s21, $0xD  }
0x91: {  	s23 =	simm.s32 @!p0 $0x0;
	s24 =	simm.s32 @!p0 $0x4000;
	s0 =	sadd.s32 @!p0 s0, s7  }
0x92: {  	[tilespmem:s24], [sflag:$0x1] =	stream.linear.gather @!p0 [hbm4b:s0+s23], $0x8000, $0x38;
	[tilespmem:$0x14600] =	vst v63  }
0x93: {  	_ =	swait.ge [sflag:s17], $0x8000  }
0x94: {  	s22 =	sshll.u32 s22, $0x3;
	[sflag:s17] =	ssyncset.done $0x0  }
0x95: {  	s23 =	simm.s32 $0x0;
	s24 =	simm.s32 $0x0;
	[sflag:s17] =	ssyncadd.s32 $0xFFFF8000  }
.LBB2_7:
0x96: {  	s0 =	sshll.u32 s24, $0x9;
	s25 =	sshll.u32 s24, $0xD  }
0x97: {  	s25 =	sand.u32 $0x4000, s25;
	s0 =	sand.u32 $0x200, s0  }
0x98: {  	s0 =	sor.u32 s0, s25  }
0x99: {  	s30 =	sand.u32 $0x3C00, s23;
	s26 =	sand.u32 $0x70, s23;
	s25 =	sadd.s32 $0xC000, s0  }
0x9a: {  	s28 =	sor.u32 s26, s30;
	v24 =	vmov s25  }
0x9b: {  	v18 =	vld [tilespmem:s28+$0x300];
	s0 =	sadd.s32 $0x4000, s0  }
0x9c: {  	v25 =	vld [tilespmem:s28+$0x200];
	[dreg:$0x6] =	wrdreg s0  }
0x9d: {  	v13 =	vld [tilespmem:s28+$0x180];
	s0 =	rddreg [dreg:$0x6]  }
0x9e: {  	s31 =	sand.u32 $0x7, s23;
	v27 =	vimm.f32 $0.0e+00;
	v47 =	vld [tilespmem:s28+$0x0];
	s0 =	sadd.s32 s30, s0  }
0x9f: {  	v43 =	vimm.f32 $0.0e+00;
	v41 =	vimm.f32 $0.0e+00;
	v39 =	vimm.f32 $0.0e+00;
	s25 =	sshll.u32 s31, $0x4;
	s0 =	sadd.s32 s26, s0;
	v3 =	vld.idx.msk [tilespmem:v24+s28+$0x0 ss:$0x1], $0xffff  }
0xa0: {  	v37 =	vimm.f32 $0.0e+00;
	v38 =	vimm.f32 $0.0e+00;
	v35 =	vimm.f32 $0.0e+00;
	s25 =	sadd.s32 $0x0, s25;
	v4 =	vld [tilespmem:s0+$0x8100]  }
0xa1: {  	v36 =	vimm.f32 $0.0e+00;
	v34 =	vimm.f32 $0.0e+00;
	v32 =	vimm.f32 $0.0e+00;
	s25 =	sor.u32 $0x380, s25;
	v5 =	vld [tilespmem:s0+$0x8080]  }
0xa2: {  	v33 =	vimm.f32 $0.0e+00;
	v30 =	vimm.f32 $0.0e+00;
	v31 =	vimm.f32 $0.0e+00;
	v2 =	vld [tilespmem:s25+$0x0]  }
0xa3: {  	v28 =	vimm.f32 $0.0e+00;
	v29 =	vimm.f32 $0.0e+00;
	v42 =	vimm.f32 $0.0e+00;
	v6 =	vld [tilespmem:s0+$0x8180]  }
0xa4: {  	v40 =	vimm.f32 $0.0e+00;
	v12 =	vimm.f32 $0.0e+00;
	v16 =	vld [tilespmem:s28+$0x80];
	v3 =	vadd.s32 $0x8000, v3  }
0xa5: {  	v20 =	vimm.f32 $0.0e+00;
	v4 =	vadd.s32 $0x8000, v4;
	v45 =	vand.u32 $0xFFFF0000, v3  }
0xa6: {  	v44 =	vld [tilespmem:s28+$0x280];
	v3 =	vadd.s32 $0x8000, v5;
	v5 =	vand.u32 $0xFFFF0000, v4;
	v7 =	vmul.f32 v45, v25  }
0xa7: {  	v17 =	vld [tilespmem:s28+$0x100];
	v4 =	vmul.f32 v45, v2;
	v46 =	vand.u32 $0xFFFF0000, v3;
	v51 =	vmul.f32 v45, v13  }
0xa8: {  	v8 =	vmul.f32 v5, v18;
	v3 =	vadd.s32 $0x8000, v6;
	v6 =	vmul.f32 v45, v18  }
0xa9: {  	v10 =	vimm.f32 $0.0e+00;
	v48 =	vmul.f32 v45, v16;
	v49 =	vmul.f32 v45, v47  }
0xaa: {  	v21 =	vimm.f32 $0.0e+00;
	v50 =	vmul.f32 v46, v47;
	v9 =	vmul.f32 v46, v25  }
0xab: {  	v26 =	vand.u32 $0xFFFF0000, v3;
	v52 =	vmul.f32 v46, v44;
	v3 =	vimm.f32 $0.0e+00  }
0xac: {  	v19 =	vadd.f32 v4, v27;
	v4 =	vmul.f32 v46, v17;
	v23 =	vadd.f32 v7, v27  }
0xad: {  	v7 =	vmul.f32 v5, v47;
	v22 =	vadd.f32 v6, v27;
	v6 =	vimm.f32 $0.0e+00  }
0xae: {  	v14 =	vadd.f32 v9, v27;
	v9 =	vimm.f32 $0.0e+00;
	v15 =	vadd.f32 v4, v27  }
0xaf: {  	s25 =	simm.s32 $0x10;
	s26 =	simm.s32 $0x0;
	s28 =	simm.s32 $0x0;
	v11 =	vadd.f32 v7, v27;
	v7 =	vimm.f32 $0.0e+00;
	v4 =	vimm.f32 $0.0e+00  }
.LBB2_8:
0xb0: {  	v63 =	vmul.f32 v46, v2;
	v53 =	vmul.f32 v5, v16  }
0xb1: {  	v59 =	vmul.f32 v46, v18;
	v54 =	vmul.f32 v26, v25  }
0xb2: {  	v55 =	vmul.f32 v45, v44;
	v47 =	vmul.f32 v26, v47  }
0xb3: {  	v60 =	vmul.f32 v26, v17;
	v61 =	vmul.f32 v5, v25;
	v27 =	vadd.f32 v51, v27  }
0xb4: {  	s26 =	sadd.s32 $0x80, s26;
	s29 =	smov.u32 s25;
	v62 =	vmul.f32 v5, v44;
	v43 =	vadd.f32 v52, v43;
	v41 =	vadd.f32 v50, v41  }
0xb5: {  	v56 =	vmul.f32 v46, v13;
	s30 =	sand.u32 $0x3C00, s26;
	s31 =	sand.u32 $0x70, s29;
	v36 =	vadd.f32 v49, v36;
	v42 =	vadd.f32 v48, v42  }
0xb6: {  	v45 =	vmul.f32 v45, v17;
	v9 =	vadd.f32 v8, v9;
	v39 =	vadd.f32 v59, v39;
	s29 =	sor.u32 s31, s30  }
0xb7: {  	v44 =	vmul.f32 v26, v44;
	v37 =	vadd.f32 v54, v37;
	v38 =	vadd.f32 v55, v38;
	v55 =	vld [tilespmem:s29+$0x300]  }
0xb8: {  	s0 =	rddreg [dreg:$0x6];
	v17 =	vmul.f32 v5, v17;
	v35 =	vadd.f32 v63, v35;
	v34 =	vadd.f32 v60, v34;
	v57 =	vld [tilespmem:s29+$0x80]  }
0xb9: {  	v51 =	vmul.f32 v26, v13;
	s0 =	sadd.s32 s30, s0;
	v32 =	vadd.f32 v61, v32;
	v33 =	vadd.f32 v62, v33;
	v25 =	vld [tilespmem:s29+$0x200]  }
0xba: {  	v63 =	vmul.f32 v46, v16;
	v31 =	vadd.f32 v53, v31;
	v28 =	vadd.f32 v56, v28;
	s0 =	sadd.s32 s31, s0;
	v58 =	vld.idx.msk [tilespmem:v24+s29+$0x0 ss:$0x1], $0xffff  }
0xbb: {  	s28 =	sadd.s32 $0x1, s28;
	v29 =	vadd.f32 v47, v29;
	v60 =	vmul.f32 v26, v18;
	v40 =	vadd.f32 v45, v40;
	v59 =	vld [tilespmem:s0+$0x8100]  }
0xbc: {  	v62 =	vmul.f32 v26, v16;
	v20 =	vadd.f32 v17, v20;
	v6 =	vadd.f32 v44, v6;
	s31 =	sand.u32 $0x7, s28;
	v61 =	vld [tilespmem:s0+$0x8080]  }
0xbd: {  	v26 =	vmul.f32 v26, v2;
	v3 =	vadd.f32 v51, v3;
	v47 =	vld [tilespmem:s29+$0x0];
	s30 =	sshll.u32 s31, $0x4;
	v30 =	vadd.f32 v63, v30  }
0xbe: {  	v2 =	vmul.f32 v5, v2;
	v17 =	vld [tilespmem:s29+$0x100];
	v12 =	vadd.f32 v60, v12;
	v7 =	vadd.f32 v62, v7;
	s30 =	sadd.s32 s30, s26  }
0xbf: {  	v56 =	vld [tilespmem:s0+$0x8180];
	v4 =	vadd.f32 v26, v4;
	s30 =	sor.u32 $0x380, s30;
	v16 =	vmovc v57;
	v57 =	vmul.f32 v5, v13;
	v5 =	vadd.s32 $0x8000, v58  }
0xc0: {  	v10 =	vadd.f32 v2, v10;
	v63 =	vld [tilespmem:s30+$0x0];
	v8 =	vadd.s32 $0x8000, v59;
	v45 =	vand.u32 $0xFFFF0000, v5  }
0xc1: {  	v18 =	vmovc v55;
	v26 =	vadd.s32 $0x8000, v61;
	v58 =	vmul.f32 v45, v25;
	v5 =	vand.u32 $0xFFFF0000, v8  }
0xc2: {  	v44 =	vld [tilespmem:s29+$0x280];
	v21 =	vadd.f32 v57, v21;
	v60 =	vmul.f32 v45, v18;
	v48 =	vmul.f32 v45, v16  }
0xc3: {  	p0 =	sne.s32 s25, $0x7F0;
	v13 =	vld [tilespmem:s29+$0x180];
	v46 =	vand.u32 $0xFFFF0000, v26;
	v49 =	vmul.f32 v45, v47;
	v8 =	vmul.f32 v5, v18  }
.Ltmp2:
0xc4: {  	v26 =	vadd.s32 $0x8000, v56;
	v50 =	vmul.f32 v46, v47;
	v61 =	vmul.f32 v46, v17;
	(pc) =	sbr.rel @p0 .LBB2_8-.Ltmp2, $4  }
0xc5: {  	v62 =	vmul.f32 v5, v47;
	v26 =	vand.u32 $0xFFFF0000, v26;
	v2 =	vmovc v63;
	v23 =	vadd.f32 v58, v23  }
0xc6: {  	v22 =	vadd.f32 v60, v22;
	v63 =	vmul.f32 v46, v25;
	v59 =	vmul.f32 v45, v2  }
0xc7: {  	v52 =	vmul.f32 v46, v44;
	v15 =	vadd.f32 v61, v15;
	v11 =	vadd.f32 v62, v11  }
0xc8: {  	s25 =	sadd.s32 $0x10, s25;
	v51 =	vmul.f32 v45, v13;
	v14 =	vadd.f32 v63, v14;
	v19 =	vadd.f32 v59, v19  }
0xc9: {  	v60 =	vmul.f32 v46, v2  }
0xca: {  	v53 =	vmul.f32 v5, v16;
	v24 =	vmul.f32 v46, v18  }
0xcb: {  	v61 =	vmul.f32 v26, v25;
	v54 =	vmul.f32 v45, v44  }
0xcc: {  	v43 =	vadd.f32 v52, v43;
	v47 =	vmul.f32 v26, v47;
	v62 =	vmul.f32 v26, v17  }
0xcd: {  	v41 =	vadd.f32 v50, v41;
	v63 =	vmul.f32 v5, v25;
	v56 =	vmul.f32 v5, v44  }
0xce: {  	v36 =	vadd.f32 v49, v36;
	v57 =	vmul.f32 v45, v17;
	v42 =	vadd.f32 v48, v42  }
0xcf: {  	v58 =	vmul.f32 v46, v13;
	v8 =	vadd.f32 v8, v9;
	v51 =	vadd.f32 v51, v27  }
0xd0: {  	v59 =	vmul.f32 v46, v16;
	v39 =	vadd.f32 v24, v39;
	v24 =	vadd.f32 v61, v37  }
0xd1: {  	v18 =	vmul.f32 v26, v18;
	v37 =	vadd.f32 v54, v38;
	v35 =	vadd.f32 v60, v35  }
0xd2: {  	v16 =	vmul.f32 v26, v16;
	v25 =	vadd.f32 v62, v34;
	v60 =	vadd.f32 v57, v40  }
0xd3: {  	s0 =	sshll.u32 s24, $0x5;
	v27 =	vmul.f32 v26, v13;
	(xrf2) =	vadd.scan.msk.f32 $0xffff, v36;
	v36 =	vadd.f32 v63, v32;
	v32 =	vadd.f32 v56, v33  }
0xd4: {  	s25 =	sadd.s32 s22, s0;
	v33 =	vadd.f32 v59, v30;
	v31 =	vadd.f32 v53, v31;
	v30 =	vmul.f32 v26, v44;
	(xrf2) =	vadd.scan.msk.f32 $0xffff, v42  }
0xd5: {  	v34 =	vadd.f32 v58, v28;
	v28 =	vadd.f32 v47, v29;
	v61 =	vmov s25;
	(xrf2) =	vadd.scan.msk.f32 $0xffff, v60  }
0xd6: {  	s0 =	sor.u32 $0x1, s25;
	v56 =	vmul.f32 v5, v17;
	v59 =	vmul.f32 v5, v13;
	v12 =	vadd.f32 v18, v12;
	(xrf2) =	vadd.scan.msk.f32 $0xffff, v51  }
0xd7: {  	s26 =	sor.u32 $0x2, s25;
	s28 =	sor.u32 $0x3, s25;
	s29 =	sor.u32 $0x4, s25;
	v7 =	vadd.f32 v16, v7;
	v29 =	vand.u32 $0xFFFFFFE0, v61;
	v62 =	vmov s0  }
0xd8: {  	s30 =	sor.u32 $0x5, s25;
	v45 =	vmov s26;
	v47 =	vmov s28;
	v50 =	vmov s29;
	(xrf2) =	vadd.scan.msk.f32 $0xffff, v23  }
0xd9: {  	s31 =	sor.u32 $0x6, s25;
	v53 =	vmov s30;
	v63 =	vbroadcast v29, $0x0;
	v44 =	vand.u32 $0xFFFFFFF9, v62;
	(xrf2) =	vadd.scan.msk.f32 $0xffff, v37  }
0xda: {  	v54 =	vmov s31;
	v46 =	vand.u32 $0xFFFFFFFA, v45;
	v29 =	vbroadcast v44, $0x0;
	(xrf2) =	vadd.scan.msk.f32 $0xffff, v22  }
0xdb: {  	v3 =	vadd.f32 v27, v3;
	v49 =	vand.u32 $0xFFFFFFFB, v47;
	v48 =	vbroadcast v46, $0x0;
	(xrf2) =	vadd.scan.msk.f32 $0xffff, v19  }
0xdc: {  	s26 =	sor.u32 $0x8, s25;
	v52 =	vand.u32 $0xFFFFFFFC, v50;
	v38 =	vand.u32 $0xFFFFFFFD, v53;
	v51 =	vbroadcast v49, $0x0;
	(xrf2) =	vadd.scan.msk.f32 $0xffff, v41  }
0xdd: {  	v40 =	vand.u32 $0xFFFFFFFE, v54;
	v58 =	vmov s26;
	v37 =	vbroadcast v52, $0x0;
	v55, _, _ =	vpop (xrf2)  }
0xde: {  	v17 =	vadd.f32 v56, v20;
	v13 =	vadd.f32 v59, v21;
	v38 =	vbroadcast v38, $0x0;
	v57, _, _ =	vpop (xrf2)  }
0xdf: {  	s31 =	sor.u32 $0xB, s25;
	s26 =	sor.u32 $0xC, s25;
	v40 =	vbroadcast v40, $0x0;
	v61 =	vand.u32 $0xFFFFFFF8, v58;
	[tilespmem:v63+s16+$0x0] =	vst.idx.msk vm0, v55;
	v60, _, _ =	vpop (xrf2);
	(xrf2) =	vadd.scan.msk.f32 $0xffff, v33  }
0xe0: {  	v44 =	vmov s31;
	v46 =	vmov s26;
	[tilespmem:v29+s16+$0x0] =	vst.idx.msk vm0, v57;
	v62, _, _ =	vpop (xrf2);
	(xrf2) =	vadd.scan.msk.f32 $0xffff, v15  }
0xe1: {  	s28 =	sor.u32 $0x7, s25;
	s31 =	sor.u32 $0x10, s25;
	v45 =	vand.u32 $0xFFFFFFFB, v44;
	v21 =	vand.u32 $0xFFFFFFFC, v46;
	[tilespmem:v48+s16+$0x0] =	vst.idx.msk vm0, v60;
	(xrf2) =	vadd.scan.msk.f32 $0xffff, v34  }
0xe2: {  	v63 =	vmov s28;
	v55 =	vmov s31;
	[tilespmem:v51+s16+$0x0] =	vst.idx.msk vm0, v62;
	v22, _, _ =	vpop (xrf2);
	(xrf2) =	vadd.scan.msk.f32 $0xffff, v14  }
0xe3: {  	s29 =	sor.u32 $0x9, s25;
	s28 =	sor.u32 $0xD, s25;
	v29 =	vbroadcast v61, $0x0;
	v15 =	vmul.f32 v26, v2;
	[tilespmem:v37+s16+$0x0] =	vst.idx.msk vm0, v22;
	v26, _, _ =	vpop (xrf2);
	(xrf2) =	vadd.scan.msk.f32 $0xffff, v43  }
0xe4: {  	s26 =	sor.u32 $0x11, s25;
	v33 =	vmov s29;
	v47 =	vmov s28;
	[tilespmem:v38+s16+$0x0] =	vst.idx.msk vm0, v26;
	v37, _, _ =	vpop (xrf2);
	(xrf2) =	vadd.scan.msk.f32 $0xffff, v39  }
0xe5: {  	v56 =	vand.u32 $0xFFFFFFF8, v55;
	v57 =	vmov s26;
	[tilespmem:v40+s16+$0x0] =	vst.idx.msk vm0, v37;
	v40, _, _ =	vpop (xrf2);
	(xrf2) =	vadd.scan.msk.f32 $0xffff, v35  }
0xe6: {  	s30 =	sor.u32 $0xA, s25;
	s29 =	sor.u32 $0xE, s25;
	v20 =	vand.u32 $0xFFFFFFF9, v33;
	v48 =	vbroadcast v21, $0x0;
	v49 =	vand.u32 $0xFFFFFFFD, v47;
	v43, _, _ =	vpop (xrf2);
	(xrf2) =	vadd.scan.msk.f32 $0xffff, v11  }
0xe7: {  	v50 =	vmov s29;
	v19 =	vand.u32 $0xFFFFFFF9, v57;
	v38 =	vmov s30;
	(xrf2) =	vadd.scan.msk.f32 $0xffff, v31  }
0xe8: {  	s28 =	sor.u32 $0x12, s25;
	v2 =	vmul.f32 v5, v2;
	v41 =	vbroadcast v20, $0x0;
	v42 =	vand.u32 $0xFFFFFFFA, v38;
	(xrf2) =	vadd.scan.msk.f32 $0xffff, v17  }
0xe9: {  	v59 =	vmov s28;
	v21 =	vbroadcast v49, $0x0;
	v20 =	vbroadcast v42, $0x0;
	v51, _, _ =	vpop (xrf2)  }
0xea: {  	v61 =	vbroadcast v19, $0x0;
	v62 =	vand.u32 $0xFFFFFFFA, v59;
	v14 =	vbroadcast v45, $0x0;
	(xrf2) =	vadd.scan.msk.f32 $0xffff, v13;
	v53, _, _ =	vpop (xrf2)  }
0xeb: {  	s26 =	sor.u32 $0x16, s25;
	v22 =	vand.u32 $0xFFFFFFFE, v50;
	v19 =	vbroadcast v62, $0x0;
	v2 =	vadd.f32 v2, v10;
	v58, _, _ =	vpop (xrf2)  }
0xec: {  	s28 =	sor.u32 $0x17, s25;
	v4 =	vadd.f32 v15, v4;
	s30 =	sor.u32 $0xF, s25;
	v54 =	vbroadcast v22, $0x0;
	v38 =	vmov s26;
	s26 =	sor.u32 $0x1B, s25;
	[tilespmem:v63+s16+$0x0] =	vst.idx.msk vm0, v40;
	v60, _, _ =	vpop (xrf2)  }
0xed: {  	v52 =	vmov s30;
	s30 =	sor.u32 $0x14, s25;
	v40 =	vmov s28;
	v46 =	vmov s26;
	[tilespmem:v29+s16+$0x0] =	vst.idx.msk vm0, v43;
	v63, _, _ =	vpop (xrf2)  }
0xee: {  	v29 =	vmov s30;
	v9 =	vand.u32 $0xFFFFFFFB, v46;
	[tilespmem:v41+s16+$0x0] =	vst.idx.msk vm0, v51;
	(xrf2) =	vadd.scan.msk.f32 $0xffff, v36;
	v22, _, _ =	vpop (xrf2)  }
0xef: {  	s29 =	sor.u32 $0x13, s25;
	s30 =	sor.u32 $0x19, s25;
	v11 =	vand.u32 $0xFFFFFFFC, v29;
	v17 =	vbroadcast v56, $0x0;
	[tilespmem:v20+s16+$0x0] =	vst.idx.msk vm0, v53;
	(xrf2) =	vadd.scan.msk.f32 $0xffff, v32;
	v31, _, _ =	vpop (xrf2)  }
0xf0: {  	s31 =	sor.u32 $0x15, s25;
	v43 =	vmov s30;
	v20 =	vmov s29;
	[tilespmem:v14+s16+$0x0] =	vst.idx.msk vm0, v58;
	(xrf2) =	vadd.scan.msk.f32 $0xffff, v8;
	v33, _, _ =	vpop (xrf2)  }
0xf1: {  	v36 =	vmov s31;
	v23 =	vand.u32 $0xFFFFFFFB, v20;
	[tilespmem:v48+s16+$0x0] =	vst.idx.msk vm0, v60;
	v34, _, _ =	vpop (xrf2);
	(xrf2) =	vadd.scan.msk.f32 $0xffff, v2  }
0xf2: {  	v37 =	vand.u32 $0xFFFFFFFD, v36;
	v10 =	vbroadcast v23, $0x0;
	[tilespmem:v21+s16+$0x0] =	vst.idx.msk vm0, v63;
	v35, _, _ =	vpop (xrf2);
	(xrf2) =	vadd.scan.msk.f32 $0xffff, v28  }
0xf3: {  	v11 =	vbroadcast v11, $0x0;
	v5 =	vbroadcast v37, $0x0;
	[tilespmem:v54+s16+$0x0] =	vst.idx.msk vm0, v22;
	(xrf2) =	vadd.scan.msk.f32 $0xffff, v7  }
0xf4: {  	s29 =	sor.u32 $0x18, s25;
	[tilespmem:v52+s16+$0x0] =	vst.idx.msk vm0, v31;
	v2 =	vadd.f32 v30, v6;
	v6 =	vand.u32 $0xFFFFFFFE, v38;
	v39, _, _ =	vpop (xrf2);
	(xrf2) =	vadd.scan.msk.f32 $0xffff, v25  }
0xf5: {  	s31 =	sor.u32 $0x1A, s25;
	v42 =	vmov s29;
	[tilespmem:v17+s16+$0x0] =	vst.idx.msk vm0, v33;
	v6 =	vbroadcast v6, $0x0;
	(xrf2) =	vadd.scan.msk.f32 $0xffff, v3  }
0xf6: {  	v44 =	vmov s31;
	[tilespmem:v61+s16+$0x0] =	vst.idx.msk vm0, v34;
	v3 =	vand.u32 $0xFFFFFFF8, v42;
	(xrf2) =	vadd.scan.msk.f32 $0xffff, v24  }
0xf7: {  	[tilespmem:v19+s16+$0x0] =	vst.idx.msk vm0, v35;
	v7 =	vand.u32 $0xFFFFFFF9, v43;
	v3 =	vbroadcast v3, $0x0;
	(xrf2) =	vadd.scan.msk.f32 $0xffff, v2  }
0xf8: {  	s28 =	sor.u32 $0x1C, s25;
	v45 =	vand.u32 $0xFFFFFFFA, v44;
	[tilespmem:v10+s16+$0x0] =	vst.idx.msk vm0, v39;
	v41, _, _ =	vpop (xrf2);
	v2 =	vbroadcast v7, $0x0;
	(xrf2) =	vadd.scan.msk.f32 $0xffff, v12  }
0xf9: {  	s29 =	sor.u32 $0x1D, s25;
	v48 =	vmov s28;
	[tilespmem:v11+s16+$0x0] =	vst.idx.msk vm0, v41;
	v47, _, _ =	vpop (xrf2);
	v7 =	vbroadcast v45, $0x0;
	(xrf2) =	vadd.scan.msk.f32 $0xffff, v4  }
0xfa: {  	v50 =	vbroadcast v9, $0x0;
	s30 =	sor.u32 $0x1E, s25;
	v51 =	vand.u32 $0xFFFFFFFC, v48;
	v52 =	vmov s29;
	v49, _, _ =	vpop (xrf2);
	[tilespmem:v5+s16+$0x0] =	vst.idx.msk vm0, v47  }
0xfb: {  	v56 =	vmov s30;
	v54 =	vbroadcast v51, $0x0;
	v55 =	vand.u32 $0xFFFFFFFD, v52;
	[tilespmem:v6+s16+$0x0] =	vst.idx.msk vm0, v49;
	v53, _, _ =	vpop (xrf2)  }
0xfc: {  	v58 =	vand.u32 $0xFFFFFFFE, v56;
	v6 =	vbroadcast v55, $0x0;
	v57, _, _ =	vpop (xrf2);
	[tilespmem:v40+s16+$0x0] =	vst.idx.msk vm0, v53  }
0xfd: {  	v59, _, _ =	vpop (xrf2);
	[tilespmem:v3+s16+$0x0] =	vst.idx.msk vm0, v57;
	v3 =	vbroadcast v58, $0x0  }
0xfe: {  	s24 =	sadd.s32 $0x1, s24;
	s31 =	sor.u32 $0x1F, s25;
	v60, _, _ =	vpop (xrf2);
	[tilespmem:v2+s16+$0x0] =	vst.idx.msk vm0, v59  }
0xff: {  	p0 =	sne.s32 s24, $0x4;
	v61 =	vmov s31;
	v2, _, _ =	vpop (xrf2);
	[tilespmem:v7+s16+$0x0] =	vst.idx.msk vm0, v60  }
.Ltmp3:
0x100: {  	v62, _, _ =	vpop (xrf2);
	[tilespmem:v50+s16+$0x0] =	vst.idx.msk vm0, v2;
	(pc) =	sbr.rel @p0 .LBB2_7-.Ltmp3, $4  }
0x101: {  	v2, _, _ =	vpop (xrf2);
	[tilespmem:v54+s16+$0x0] =	vst.idx.msk vm0, v62  }
0x102: {  	v63, _, _ =	vpop (xrf2);
	[tilespmem:v6+s16+$0x0] =	vst.idx.msk vm0, v2  }
0x103: {  	[tilespmem:v3+s16+$0x0] =	vst.idx.msk vm0, v63;
	v2, _, _ =	vpop (xrf2)  }
0x104: {  	[tilespmem:v61+s16+$0x0] =	vst.idx.msk vm0, v2  }
0x105: {  	s21 =	sadd.s32 $0x1, s21  }
0x106: {  	p0 =	sne.s32 s21, $0x4  }
.Ltmp4:
0x107: {  	_ = 	snop;
	(pc) =	sbr.rel @p0 .LBB2_2-.Ltmp4, $1  }
0x108: {  	_ =	sdelay $0x3  }
0x109: {  	s21 =	simm.s32 $0x0  }
0x10a: {  	v2 =	vmul.u32 $0x8, v0;
	v3 =	vmov s21  }
0x10b: {  	v3 =	vshll.u32 v3, $0x3  }
0x10c: {  	v3 =	vor.u32 v2, v3  }
0x10d: {  	v4 =	vor.u32 $0x1, v3;
	_ =	sdelay $0x1  }
0x10e: {  	v5 =	vor.u32 $0x2, v3;
	_ =	sdelay $0x1  }
0x10f: {  	v6 =	vor.u32 $0x3, v3;
	v7 =	vld.idx.msk [tilespmem:v3+s16+$0x0], $0xffff  }
0x110: {  	v4 =	vld.idx.msk [tilespmem:v4+s16+$0x0], $0xffff  }
0x111: {  	v8 =	vor.u32 $0x4, v3  }
0x112: {  	v5 =	vld.idx.msk [tilespmem:v5+s16+$0x0], $0xffff  }
0x113: {  	v9 =	vor.u32 $0x5, v3  }
0x114: {  	v6 =	vld.idx.msk [tilespmem:v6+s16+$0x0], $0xffff  }
0x115: {  	v10 =	vor.u32 $0x6, v3;
	vm1 =	vgt.f32 v4, v7  }
0x116: {  	v8 =	vld.idx.msk [tilespmem:v8+s16+$0x0], $0xffff;
	v11 =	vsel vm1, v4, v7  }
0x117: {  	v3 =	vor.u32 $0x7, v3;
	vm2 =	vgt.f32 v5, v11  }
0x118: {  	v9 =	vld.idx.msk [tilespmem:v9+s16+$0x0], $0xffff;
	v11 =	vsel vm2, v5, v11  }
0x119: {  	vm3 =	vgt.f32 v6, v11  }
0x11a: {  	v10 =	vld.idx.msk [tilespmem:v10+s16+$0x0], $0xffff;
	v11 =	vsel vm3, v6, v11  }
0x11b: {  	vm4 =	vgt.f32 v8, v11  }
0x11c: {  	v3 =	vld.idx.msk [tilespmem:v3+s16+$0x0], $0xffff;
	v11 =	vsel vm4, v8, v11  }
0x11d: {  	v12 =	vsel vm1, $0x1, v1;
	vm1 =	vgt.f32 v9, v11  }
0x11e: {  	v12 =	vsel vm2, $0x2, v12;
	v11 =	vsel vm1, v9, v11  }
0x11f: {  	v12 =	vsel vm3, $0x3, v12;
	vm2 =	vgt.f32 v10, v11  }
0x120: {  	v12 =	vsel vm4, $0x4, v12;
	v11 =	vsel vm2, v10, v11  }
0x121: {  	v12 =	vsel vm1, $0x5, v12;
	vm1 =	vgt.f32 v3, v11  }
0x122: {  	v12 =	vsel vm2, $0x6, v12;
	vm1 =	vmneg vm1  }
0x123: {  	v12 =	vnsel vm1, $0x7, v12  }
0x124: {  	vm3 =	veq.s32 v12, $0x0  }
0x125: {  	v7 =	vsel vm3, $0xFF800000, v7  }
0x126: {  	vm3 =	veq.s32 v12, $0x1;
	vm15 =	vgt.f32 v7, $-Inf  }
0x127: {  	v4 =	vsel vm3, $0xFF800000, v4;
	v7 =	vnsel vm15, $0xFF800000, v7  }
0x128: {  	vm3 =	veq.s32 v12, $0x2;
	vm4 =	vgt.f32 v4, v7  }
0x129: {  	v5 =	vsel vm3, $0xFF800000, v5;
	v4 =	vsel vm4, v4, v7  }
0x12a: {  	vm3 =	veq.s32 v12, $0x3;
	vm5 =	vgt.f32 v5, v4  }
0x12b: {  	v4 =	vsel vm5, v5, v4;
	v5 =	vsel vm3, $0xFF800000, v6  }
0x12c: {  	vm3 =	veq.s32 v12, $0x4;
	vm6 =	vgt.f32 v5, v4  }
0x12d: {  	v4 =	vsel vm6, v5, v4;
	v5 =	vsel vm3, $0xFF800000, v8  }
0x12e: {  	vm3 =	veq.s32 v12, $0x5;
	vm7 =	vgt.f32 v5, v4  }
0x12f: {  	v4 =	vsel vm7, v5, v4;
	v5 =	vsel vm3, $0xFF800000, v9  }
0x130: {  	vm2 =	vmand vm2, vm1;
	vm3 =	vgt.f32 v5, v4  }
0x131: {  	v4 =	vsel vm3, v5, v4;
	v5 =	vsel vm2, $0xFF800000, v10  }
0x132: {  	vm2 =	vgt.f32 v5, v4  }
0x133: {  	v4 =	vsel vm2, v5, v4;
	v5 =	vnsel vm1, $0xFF800000, v3  }
0x134: {  	vm8 =	vgt.f32 v5, v4  }
0x135: {  	v3 =	vsel vm1, v11, v3;
	v4 =	vsel vm8, v5, v4  }
0x136: {  	v3 =	vsub.f32 v4, v3;
	_ =	sdelay $0x1  }
0x137: {  	v3 =	vmul.f32 $1.442695020e+00, v3;
	_ =	sdelay $0x1  }
0x138: {  	(erf) = vpow2.f32 v3;
	_ =	sdelay $0x8  }
0x139: {  	v6 =	vpop (erf)  }
0x13a: {  	v3 =	vadd.f32 $1.000000000e+00, v6;
	_ =	sdelay $0x1  }
0x13b: {  	(erf) = vrcp.f32 v3  }
0x13c: {  	v3 =	vmul.u32 $0x2, v0  }
0x13d: {  	v5 =	vsel vm4, $0x1, v1  }
0x13e: {  	v5 =	vsel vm5, $0x2, v5;
	v8 =	vor.u32 s21, v3;
	v4 =	vor.u32 $0x1, v3  }
0x13f: {  	s0 =	simm.s32 $0x10;
	v7 =	vsel vm6, $0x3, v5;
	v5 =	vor.u32 s21, v4  }
0x140: {  	v9 =	vmov s0;
	v7 =	vsel vm7, $0x4, v7  }
0x141: {  	v9 =	vshll.u32 v9, $0x3;
	v7 =	vsel vm3, $0x5, v7  }
0x142: {  	v11 =	vor.u32 v2, v9;
	v7 =	vsel vm2, $0x6, v7  }
0x143: {  	v13 =	vor.u32 $0x1, v11;
	v9 =	vor.u32 $0x3, v11;
	v7 =	vsel vm8, $0x7, v7;
	[tilespmem:v8+s18+$0x0] =	vst.idx.msk $0xffff, v12  }
0x144: {  	v10 =	vor.u32 $0x4, v11;
	v12 =	vor.u32 $0x2, v11;
	[tilespmem:v5+s18+$0x0] =	vst.idx.msk $0xffff, v7;
	v7 =	vor.u32 $0x5, v11;
	v15 =	vpop (erf)  }
0x145: {  	s22 =	simm.s32 $0x20;
	v14 =	vmul.f32 v15, v6;
	[tilespmem:v8+s19+$0x0] =	vst.idx.msk $0xffff, v15;
	v8 =	vor.u32 $0x6, v11;
	v6 =	vor.u32 $0x7, v11  }
.LBB2_12:
0x146: {  	p0 =	sne.s32 s22, $0x70  }
0x147: {  	[tilespmem:v5+s19+$0x0] =	vst.idx.msk $0xffff, v14;
	s21 =	sadd.s32 $0x20, s21;
	s23 =	smov.u32 s22;
	s22 =	sadd.s32 $0x10, s22  }
0x148: {  	v5 =	vld.idx.msk [tilespmem:v11+s16+$0x0], $0xffff  }
0x149: {  	v11 =	vld.idx.msk [tilespmem:v13+s16+$0x0], $0xffff;
	_ =	sdelay $0x1  }
0x14a: {  	v12 =	vld.idx.msk [tilespmem:v12+s16+$0x0], $0xffff;
	_ =	sdelay $0x1  }
0x14b: {  	v9 =	vld.idx.msk [tilespmem:v9+s16+$0x0], $0xffff;
	_ =	sdelay $0x1  }
0x14c: {  	vm1 =	vgt.f32 v11, v5;
	v10 =	vld.idx.msk [tilespmem:v10+s16+$0x0], $0xffff  }
0x14d: {  	v13 =	vsel vm1, v11, v5  }
0x14e: {  	vm2 =	vgt.f32 v12, v13;
	v7 =	vld.idx.msk [tilespmem:v7+s16+$0x0], $0xffff  }
0x14f: {  	v13 =	vsel vm2, v12, v13  }
0x150: {  	vm3 =	vgt.f32 v9, v13;
	v8 =	vld.idx.msk [tilespmem:v8+s16+$0x0], $0xffff  }
0x151: {  	v13 =	vsel vm3, v9, v13  }
0x152: {  	vm4 =	vgt.f32 v10, v13;
	v6 =	vld.idx.msk [tilespmem:v6+s16+$0x0], $0xffff  }
0x153: {  	v13 =	vsel vm4, v10, v13  }
0x154: {  	v14 =	vsel vm1, $0x1, v1;
	vm1 =	vgt.f32 v7, v13  }
0x155: {  	v14 =	vsel vm2, $0x2, v14;
	v13 =	vsel vm1, v7, v13  }
0x156: {  	v15 =	vor.u32 s21, v3;
	v14 =	vsel vm3, $0x3, v14;
	vm2 =	vgt.f32 v8, v13  }
0x157: {  	v14 =	vsel vm4, $0x4, v14;
	v13 =	vsel vm2, v8, v13  }
0x158: {  	v14 =	vsel vm1, $0x5, v14;
	vm1 =	vgt.f32 v6, v13  }
0x159: {  	v14 =	vsel vm2, $0x6, v14;
	vm1 =	vmneg vm1  }
0x15a: {  	v13 =	vsel vm1, v13, v6;
	v14 =	vnsel vm1, $0x7, v14;
	vm2 =	vmand vm2, vm1  }
0x15b: {  	vm3 =	veq.s32 v14, $0x0;
	vm4 =	veq.s32 v14, $0x1;
	vm5 =	veq.s32 v14, $0x2;
	[tilespmem:v15+s18+$0x0] =	vst.idx.msk $0xffff, v14  }
0x15c: {  	vm6 =	veq.s32 v14, $0x4;
	v5 =	vsel vm3, $0xFF800000, v5;
	vm3 =	veq.s32 v14, $0x3  }
0x15d: {  	vm8 =	veq.s32 v14, $0x5;
	vm7 =	vgt.f32 v5, $-Inf  }
0x15e: {  	v11 =	vsel vm4, $0xFF800000, v11;
	v5 =	vnsel vm7, $0xFF800000, v5  }
0x15f: {  	vm4 =	vgt.f32 v11, v5  }
0x160: {  	v5 =	vsel vm4, v11, v5;
	v11 =	vsel vm5, $0xFF800000, v12  }
0x161: {  	v12 =	vsel vm4, $0x1, v1;
	vm4 =	vgt.f32 v11, v5  }
0x162: {  	v9 =	vsel vm3, $0xFF800000, v9;
	v5 =	vsel vm4, v11, v5;
	v11 =	vsel vm4, $0x2, v12  }
0x163: {  	vm3 =	vgt.f32 v9, v5  }
0x164: {  	v10 =	vsel vm6, $0xFF800000, v10;
	v5 =	vsel vm3, v9, v5;
	v9 =	vsel vm3, $0x3, v11  }
0x165: {  	vm3 =	vgt.f32 v10, v5  }
0x166: {  	v7 =	vsel vm8, $0xFF800000, v7;
	v5 =	vsel vm3, v10, v5  }
0x167: {  	vm4 =	vgt.f32 v7, v5  }
0x168: {  	v8 =	vsel vm2, $0xFF800000, v8;
	v7 =	vsel vm4, v7, v5;
	v5 =	vor.u32 s21, v4  }
0x169: {  	v9 =	vsel vm3, $0x4, v9;
	vm2 =	vgt.f32 v8, v7  }
0x16a: {  	v6 =	vnsel vm1, $0xFF800000, v6;
	v9 =	vsel vm4, $0x5, v9;
	v7 =	vsel vm2, v8, v7  }
0x16b: {  	v8 =	vsel vm2, $0x6, v9;
	vm1 =	vgt.f32 v6, v7  }
0x16c: {  	v6 =	vsel vm1, v6, v7;
	v7 =	vsel vm1, $0x7, v8  }
0x16d: {  	v6 =	vsub.f32 v6, v13;
	[tilespmem:v5+s18+$0x0] =	vst.idx.msk $0xffff, v7;
	_ =	sdelay $0x1  }
0x16e: {  	v6 =	vmul.f32 $1.442695020e+00, v6;
	_ =	sdelay $0x1  }
0x16f: {  	(erf) = vpow2.f32 v6;
	_ =	sdelay $0x8  }
0x170: {  	v6 =	vpop (erf)  }
0x171: {  	v7 =	vadd.f32 $1.000000000e+00, v6;
	_ =	sdelay $0x1  }
0x172: {  	(erf) = vrcp.f32 v7;
	_ =	sdelay $0x5  }
0x173: {  	v7 =	vmov s23  }
.Ltmp5:
0x174: {  	v7 =	vshll.u32 v7, $0x3;
	(pc) =	sbr.rel @p0 .LBB2_12-.Ltmp5, $4  }
0x175: {  	v11 =	vor.u32 v2, v7  }
0x176: {  	v13 =	vor.u32 $0x1, v11;
	v12 =	vor.u32 $0x2, v11;
	v9 =	vor.u32 $0x3, v11;
	v8 =	vpop (erf)  }
0x177: {  	v10 =	vor.u32 $0x4, v11;
	v7 =	vor.u32 $0x5, v11;
	v14 =	vmul.f32 v8, v6;
	[tilespmem:v15+s19+$0x0] =	vst.idx.msk $0xffff, v8  }
0x178: {  	v8 =	vor.u32 $0x6, v11;
	v6 =	vor.u32 $0x7, v11  }
0x179: {  	_ =	sdelay $0x3  }
0x17a: {  	[tilespmem:v5+s19+$0x0] =	vst.idx.msk $0xffff, v14  }
0x17b: {  	v2 =	vld.idx.msk [tilespmem:v11+s16+$0x0], $0xffff  }
0x17c: {  	v5 =	vld.idx.msk [tilespmem:v13+s16+$0x0], $0xffff;
	_ =	sdelay $0x1  }
0x17d: {  	v52 =	vld.idx.msk [tilespmem:v12+s16+$0x0], $0xffff;
	_ =	sdelay $0x1  }
0x17e: {  	v9 =	vld.idx.msk [tilespmem:v9+s16+$0x0], $0xffff  }
0x17f: {  	vm1 =	vgt.f32 v5, v2  }
0x180: {  	v10 =	vld.idx.msk [tilespmem:v10+s16+$0x0], $0xffff;
	v53 =	vsel vm1, v5, v2  }
0x181: {  	vm2 =	vgt.f32 v52, v53  }
0x182: {  	v7 =	vld.idx.msk [tilespmem:v7+s16+$0x0], $0xffff;
	v12 =	vsel vm2, v52, v53  }
0x183: {  	vm3 =	vgt.f32 v9, v12  }
0x184: {  	v8 =	vld.idx.msk [tilespmem:v8+s16+$0x0], $0xffff;
	v12 =	vsel vm3, v9, v12  }
0x185: {  	vm4 =	vgt.f32 v10, v12  }
0x186: {  	v6 =	vld.idx.msk [tilespmem:v6+s16+$0x0], $0xffff;
	v12 =	vsel vm4, v10, v12  }
0x187: {  	v54 =	vsel vm1, $0x1, v1;
	vm1 =	vgt.f32 v7, v12  }
0x188: {  	v13 =	vsel vm2, $0x2, v54;
	v12 =	vsel vm1, v7, v12  }
0x189: {  	v13 =	vsel vm3, $0x3, v13;
	vm2 =	vgt.f32 v8, v12  }
0x18a: {  	v13 =	vsel vm4, $0x4, v13;
	v12 =	vsel vm2, v8, v12  }
0x18b: {  	v13 =	vsel vm1, $0x5, v13;
	vm1 =	vgt.f32 v6, v12  }
0x18c: {  	v13 =	vsel vm2, $0x6, v13;
	vm1 =	vmneg vm1  }
0x18d: {  	v13 =	vnsel vm1, $0x7, v13  }
0x18e: {  	vm3 =	veq.s32 v13, $0x0  }
0x18f: {  	v2 =	vsel vm3, $0xFF800000, v2  }
0x190: {  	vm3 =	veq.s32 v13, $0x1;
	vm15 =	vgt.f32 v2, $-Inf  }
0x191: {  	v5 =	vsel vm3, $0xFF800000, v5;
	v2 =	vnsel vm15, $0xFF800000, v2  }
0x192: {  	vm3 =	veq.s32 v13, $0x2;
	vm4 =	vgt.f32 v5, v2  }
0x193: {  	v55 =	vsel vm3, $0xFF800000, v52;
	v2 =	vsel vm4, v5, v2  }
0x194: {  	vm3 =	veq.s32 v13, $0x3;
	vm5 =	vgt.f32 v55, v2  }
0x195: {  	v56 =	vsel vm3, $0xFF800000, v9;
	v2 =	vsel vm5, v55, v2  }
0x196: {  	vm3 =	veq.s32 v13, $0x4;
	vm6 =	vgt.f32 v56, v2  }
0x197: {  	v57 =	vsel vm3, $0xFF800000, v10;
	v2 =	vsel vm6, v56, v2  }
0x198: {  	vm3 =	veq.s32 v13, $0x5;
	vm7 =	vgt.f32 v57, v2  }
0x199: {  	v58 =	vsel vm3, $0xFF800000, v7;
	v2 =	vsel vm7, v57, v2  }
0x19a: {  	vm2 =	vmand vm2, vm1;
	vm3 =	vgt.f32 v58, v2  }
0x19b: {  	v59 =	vsel vm2, $0xFF800000, v8;
	v2 =	vsel vm3, v58, v2  }
0x19c: {  	vm2 =	vgt.f32 v59, v2  }
0x19d: {  	v60 =	vnsel vm1, $0xFF800000, v6;
	v2 =	vsel vm2, v59, v2  }
0x19e: {  	vm8 =	vgt.f32 v60, v2  }
0x19f: {  	v6 =	vsel vm1, v12, v6;
	v2 =	vsel vm8, v60, v2  }
0x1a0: {  	v2 =	vsub.f32 v2, v6;
	_ =	sdelay $0x1  }
0x1a1: {  	v2 =	vmul.f32 $1.442695020e+00, v2;
	_ =	sdelay $0x1  }
0x1a2: {  	(erf) = vpow2.f32 v2;
	_ =	sdelay $0x8  }
0x1a3: {  	v2 =	vpop (erf)  }
0x1a4: {  	v61 =	vadd.f32 $1.000000000e+00, v2;
	_ =	sdelay $0x1  }
0x1a5: {  	(erf) = vrcp.f32 v61;
	_ =	sdelay $0x2  }
0x1a6: {  	s0 =	sadd.s32 $0x20, s21;
	v62 =	vsel vm4, $0x1, v1  }
0x1a7: {  	v3 =	vor.u32 s0, v3;
	v5 =	vsel vm5, $0x2, v62  }
0x1a8: {  	v4 =	vor.u32 s0, v4;
	v5 =	vsel vm6, $0x3, v5  }
0x1a9: {  	v5 =	vsel vm7, $0x4, v5  }
0x1aa: {  	v5 =	vsel vm3, $0x5, v5  }
0x1ab: {  	v5 =	vsel vm2, $0x6, v5  }
0x1ac: {  	[tilespmem:v3+s18+$0x0] =	vst.idx.msk $0xffff, v13;
	v5 =	vsel vm8, $0x7, v5;
	v63 =	vpop (erf)  }
0x1ad: {  	[tilespmem:v4+s18+$0x0] =	vst.idx.msk $0xffff, v5;
	v2 =	vmul.f32 v63, v2  }
0x1ae: {  	[tilespmem:v3+s19+$0x0] =	vst.idx.msk $0xffff, v63  }
0x1af: {  	[tilespmem:v4+s19+$0x0] =	vst.idx.msk $0xffff, v2  }
0x1b0: {  	[hbm4b:s8+s3] =	stream.linear.scatter [tilespmem:s16], [sflag:$0x3], $0x400, $0x38;
	[tilespmem:$0x14600] =	vst v63  }
0x1b1: {  	_ =	swait.ge [sflag:s12], $0x400  }
0x1b2: {  	[sflag:s12] =	ssyncset.done $0x0  }
0x1b3: {  	[sflag:s12] =	ssyncadd.s32 $0xFFFFFC00  }
0x1b4: {  	[hbm4b:s9+s3] =	stream.linear.scatter [tilespmem:s18], [sflag:$0x3], $0x100, $0x38;
	[tilespmem:$0x14600] =	vst v63  }
0x1b5: {  	s20 =	sadd.s32 $0x1, s20;
	_ =	swait.ge [sflag:s12], $0x100  }
0x1b6: {  	p0 =	sne.s32 s20, s11;
	[sflag:s12] =	ssyncset.done $0x0  }
.Ltmp6:
0x1b7: {  	[sflag:s12] =	ssyncadd.s32 $0xFFFFFF00;
	(pc) =	sbr.rel @p0 .LBB2_1-.Ltmp6, $4  }
0x1b8: {  	[hbm4b:s10+s3] =	stream.linear.scatter [tilespmem:s19], [sflag:$0x3], $0x100, $0x38;
	[tilespmem:$0x14600] =	vst v63  }
0x1b9: {  	_ =	swait.ge [sflag:s12], $0x100  }
0x1ba: {  	[sflag:s12] =	ssyncset.done $0x0  }
0x1bb: {  	[sflag:s12] =	ssyncadd.s32 $0xFFFFFF00  }
0x1bc: {  	_ =	sfence.sel $0x180000  }
0x1bd: {  	[bflag:$0x0] =	sbarrier.arrive $0xFFFF  }
0x1be: {  	_ =	strace $0x90000047  }
0x1bf: {  	[bflag:$0x2] =	sbarrier.arrive $0xFFFF  }
0x1c0: {  	p0 =	sne.s32 s2, $0x0;
	s0 =	rddreg [dreg:$0x5]  }
0x1c1: {  	s0 =	sadd.s32 @!p0 $0x100000, s0  }
0x1c2: {  	[sflag:s0] =	ssyncadd.tile.s32 @!p0 $0x1;
	_ =	shalt  }
.Lfunc_end2:
_tile_overlayer_lowered:
.L_overlay_start_2:
0x1c3: {  	(tag) =	ssettag $0x2  }
0x1c4: {  	s0 =	rddreg [dreg:$0x0];
	s2 =	stileid.u32  }
0x1c5: {  	s1 =	rddreg [dreg:$0x1];
	p0 =	sne.s32 s2, $0x0  }
0x1c6: {  	s3 =	rddreg [dreg:$0x2];
	[bflag:$0x3] =	sbarrier.arrive $0xFFFF;
	s2 =	simm.s32 @!p0 $0x1C03  }
0x1c7: {  	[timem:s3], [sflag:s2] =	dma.local @!p0 [hbm:s0], s1  }
0x1c8: {  	s0 =	simm.s32 @!p0 $0x3  }
0x1c9: {  	_ =	swait.ge @!p0 [sflag:s0], s1  }
0x1ca: {  	s1 =	ssub.s32 @!p0 $0x0, s1;
	[sflag:s0] =	ssyncset.done @!p0 $0x0  }
0x1cb: {  	[sflag:s0] =	ssyncadd.s32 @!p0 s1  }
0x1cc: {  	[bflag:$0x3] =	sbarrier.arrive $0xFFFF  }
0x1cd: {  	_ =	shalt  }

</sc_bundles>
